<compile_context>
chip_gen: v7x
topology: tpu7x:2x2x1
jax: 0.10.2.dev20260603
libtpu: 0.0.44.dev20260713+nightly
codegen_flags: <defaults>
</compile_context>

<pallas_src>
import functools

import jax
import jax.numpy as jnp
from jax import lax
from jax.experimental import pallas as pl
from jax.experimental.pallas import tpu as pltpu
from jax.experimental.pallas import tpu_sc as plsc

BATCH = 16384
NROWS = 100000
D = 32
NC = 2
NS = 16
NW = NC * NS
B_PER_W = BATCH // NW


def _tc_pack(ut_mlp, it_mlp, ut_mf, it_mf, BD):
  blk = 12288

  def body(xu_ref, xi_ref, xuf_ref, xif_ref, bd_ref, o_ref):
    x = jnp.concatenate(
        [xu_ref[...], xi_ref[...], xuf_ref[...], xif_ref[...]], axis=0)
    o_ref[...] = lax.dot_general(x, bd_ref[...], (((0,), (0,)), ((), ())),
                                 preferred_element_type=jnp.float32)

  cols = pl.BlockSpec((D, blk), lambda i: (0, i))
  full = lambda s: pl.BlockSpec(s, lambda i: tuple(0 for _ in s))
  return pl.pallas_call(
      body,
      grid=(pl.cdiv(NROWS, blk),),
      in_specs=[cols, cols, cols, cols, full((4 * D, 4 * D))],
      out_specs=pl.BlockSpec((blk, 4 * D), lambda i: (i, 0)),
      out_shape=jax.ShapeDtypeStruct((NROWS, 4 * D), jnp.float32),
      compiler_params=pltpu.CompilerParams(
          dimension_semantics=("parallel",)),
  )(ut_mlp, it_mlp, ut_mf, it_mf, BD)


def _sc_gather(tab, uidx, iidx):
  mesh = plsc.VectorSubcoreMesh(core_axis_name="c", subcore_axis_name="s")
  out = jax.ShapeDtypeStruct((BATCH, 4 * D), jnp.float32)
  ch = 128
  nch = B_PER_W // ch
  buf = pltpu.VMEM((ch, 4 * D), jnp.float32)

  @functools.partial(
      pl.kernel,
      mesh=mesh,
      out_type=[out, out],
      compiler_params=pltpu.CompilerParams(use_tc_tiling_on_sc=True),
      scratch_types=[
          pltpu.VMEM((B_PER_W,), jnp.int32),
          pltpu.VMEM((B_PER_W,), jnp.int32),
          buf, buf,
          buf, buf,
          pltpu.SemaphoreType.DMA,
          pltpu.SemaphoreType.DMA,
          pltpu.SemaphoreType.DMA,
          pltpu.SemaphoreType.DMA,
      ],
  )
  def k(tab_hbm, ui_hbm, ii_hbm, ou, oi, ui_v, ii_v,
        bu0, bu1, bi0, bi1, gsem0, gsem1, osem0, osem1):
    wid = lax.axis_index("s") * NC + lax.axis_index("c")
    base = wid * B_PER_W
    pltpu.sync_copy(ui_hbm.at[pl.ds(base, B_PER_W)], ui_v)
    pltpu.sync_copy(ii_hbm.at[pl.ds(base, B_PER_W)], ii_v)
    bufs = [(bu0, bi0), (bu1, bi1)]
    idxs = (ui_v, ii_v)
    outs = (ou, oi)
    gsems = [gsem0, gsem1]
    osems = [osem0, osem1]

    def fire_gathers(c):
      s = c % 2
      off = c * ch
      return [
          pltpu.async_copy(tab_hbm.at[idxs[t].at[pl.ds(off, ch)]],
                           bufs[s][t], gsems[s])
          for t in range(2)
      ]

    def fire_writes(c):
      s = c % 2
      off = base + c * ch
      return [
          pltpu.async_copy(bufs[s][t], outs[t].at[pl.ds(off, ch)], osems[s])
          for t in range(2)
      ]

    pend_g = {0: fire_gathers(0)}
    pend_w = {}
    for c in range(nch):
      if c + 1 < nch:
        if c - 1 >= 0:
          for w in pend_w.pop(c - 1):
            w.wait()
        pend_g[c + 1] = fire_gathers(c + 1)
      for g in pend_g.pop(c):
        g.wait()
      pend_w[c] = fire_writes(c)
    for c in list(pend_w):
      for w in pend_w.pop(c):
        w.wait()

  return k(tab, uidx, iidx)


def _tc_mlp(gu, gi, b1, W2t, b2, W3t, b3, wo_mlp, wo_mf, bo):
  blk = 4096
  grid = (BATCH // blk,)

  def body(u_ref, i_ref, b1_ref, w2_ref, b2_ref, w3_ref, b3_ref,
           womlp_ref, womf_ref, bo_ref, o_ref):
    u = u_ref[...]
    it = i_ref[...]
    h = jnp.maximum(u[:, 0:D] + it[:, D:2 * D] + b1_ref[...], 0.0)
    h = jnp.dot(h, w2_ref[...], preferred_element_type=jnp.float32)
    h = jnp.maximum(h + b2_ref[...], 0.0)
    h = jnp.dot(h, w3_ref[...], preferred_element_type=jnp.float32)
    h = jnp.maximum(h + b3_ref[...], 0.0)
    mf = u[:, 2 * D:3 * D] * it[:, 3 * D:]
    logit_t = lax.dot_general(womlp_ref[...], h, (((1,), (1,)), ((), ())),
                              preferred_element_type=jnp.float32)
    logit_t += lax.dot_general(womf_ref[...], mf, (((1,), (1,)), ((), ())),
                               preferred_element_type=jnp.float32)
    o_ref[...] = jax.nn.sigmoid(logit_t + bo_ref[...])[0]

  rows = pl.BlockSpec((blk, 4 * D), lambda i: (i, 0))
  full = lambda s: pl.BlockSpec(s, lambda i: tuple(0 for _ in s))
  return pl.pallas_call(
      body,
      grid=grid,
      in_specs=[
          rows, rows,
          full((1, D)),
          full((D, 16)), full((1, 16)),
          full((16, 8)), full((1, 8)),
          full((1, 8)), full((1, D)), full((1, 1)),
      ],
      out_specs=pl.BlockSpec((blk,), lambda i: (i,)),
      out_shape=jax.ShapeDtypeStruct((BATCH,), jnp.float32),
      compiler_params=pltpu.CompilerParams(
          dimension_semantics=("parallel",)),
  )(gu, gi, b1, W2t, b2, W3t, b3, wo_mlp, wo_mf, bo)


def kernel(user_indices, item_indices, emb_user_mlp, emb_item_mlp,
           emb_user_mf, emb_item_mf, W1, b1, W2, b2, W3, b3, Wo, bo):
  uidx = user_indices.astype(jnp.int32)
  iidx = item_indices.astype(jnp.int32)

  W1a = W1[:, :D].T
  W1b = W1[:, D:].T
  W2t = W2.T
  W3t = W3.T
  wo_mlp = Wo[:, :8]
  wo_mf = Wo[:, 8:]

  eye = jnp.eye(D, dtype=jnp.float32)
  zero = jnp.zeros((D, D), jnp.float32)
  BD = jnp.block([
      [W1a, zero, zero, zero],
      [zero, W1b, zero, zero],
      [zero, zero, eye, zero],
      [zero, zero, zero, eye],
  ])

  tab = _tc_pack(emb_user_mlp.T, emb_item_mlp.T, emb_user_mf.T,
                 emb_item_mf.T, BD)
  gu, gi = _sc_gather(tab, uidx, iidx)
  return _tc_mlp(gu, gi, b1.reshape(1, -1), W2t, b2.reshape(1, -1),
                 W3t, b3.reshape(1, -1), wo_mlp, wo_mf, bo.reshape(1, 1))

# --- scband reference (transcript-rebuilt; emitter-appended) ---
"""Pipeline reference for scband-neu-mf-28991029248009 (READ-ONLY COPY).

The authoritative reference and input builder live on the scoring server;
editing this copy changes nothing except your own understanding.
"""

import jax, jax.numpy as jnp
import numpy as np

NUM_USERS = 100000
NUM_ITEMS = 100000
BATCH = 16384
D_MLP = 32
D_MF = 32


def _xavier(k, shape):
    fan_out, fan_in = shape
    limit = float(np.sqrt(6.0 / (fan_in + fan_out)))
    return jax.random.uniform(k, shape, jnp.float32, -limit, limit)


def setup_inputs(seed: int = 0):
    key = jax.random.key(seed)
    ks = jax.random.split(key, 10)
    user_indices = jax.random.randint(ks[0], (BATCH,), 0, NUM_USERS, dtype=jnp.int64) if jax.config.jax_enable_x64 else jax.random.randint(ks[0], (BATCH,), 0, NUM_USERS)
    item_indices = jax.random.randint(ks[1], (BATCH,), 0, NUM_ITEMS)
    emb_user_mlp = 0.01 * jax.random.normal(ks[2], (NUM_USERS, D_MLP), dtype=jnp.float32)
    emb_item_mlp = 0.01 * jax.random.normal(ks[3], (NUM_ITEMS, D_MLP), dtype=jnp.float32)
    emb_user_mf = 0.01 * jax.random.normal(ks[4], (NUM_USERS, D_MF), dtype=jnp.float32)
    emb_item_mf = 0.01 * jax.random.normal(ks[5], (NUM_ITEMS, D_MF), dtype=jnp.float32)
    W1 = _xavier(ks[6], (32, 64)); b1 = jnp.zeros((32,), jnp.float32)
    W2 = _xavier(ks[7], (16, 32)); b2 = jnp.zeros((16,), jnp.float32)
    W3 = _xavier(ks[8], (8, 16)); b3 = jnp.zeros((8,), jnp.float32)
    Wo = _xavier(ks[9], (1, 8 + D_MF)); bo = jnp.zeros((1,), jnp.float32)
    return {
        'user_indices': user_indices,
        'item_indices': item_indices,
        'emb_user_mlp': emb_user_mlp,
        'emb_item_mlp': emb_item_mlp,
        'emb_user_mf': emb_user_mf,
        'emb_item_mf': emb_item_mf,
        'W1': W1, 'b1': b1,
        'W2': W2, 'b2': b2,
        'W3': W3, 'b3': b3,
        'Wo': Wo, 'bo': bo,
    }


def reference(user_indices, item_indices, emb_user_mlp, emb_item_mlp, emb_user_mf, emb_item_mf, W1, b1, W2, b2, W3, b3, Wo, bo):
    ue_mlp = jnp.take(emb_user_mlp, user_indices, axis=0)
    ie_mlp = jnp.take(emb_item_mlp, item_indices, axis=0)
    ue_mf = jnp.take(emb_user_mf, user_indices, axis=0)
    ie_mf = jnp.take(emb_item_mf, item_indices, axis=0)
    mlp_vector = jnp.concatenate([ue_mlp, ie_mlp], axis=-1)
    mf_vector = ue_mf * ie_mf
    mlp_vector = jax.nn.relu(mlp_vector @ W1.T + b1)
    mlp_vector = jax.nn.relu(mlp_vector @ W2.T + b2)
    mlp_vector = jax.nn.relu(mlp_vector @ W3.T + b3)
    vector = jnp.concatenate([mlp_vector, mf_vector], axis=-1)
    logits = vector @ Wo.T + bo
    rating = jax.nn.sigmoid(logits)
    return jnp.squeeze(rating)

if __name__ == "__main__":
    import jax
    _d = setup_inputs()
    print(jax.jit(kernel)(*tuple(_d.values())))

</pallas_src>

<mosaic_0001>
#map = affine_map<(d0, d1) -> (0, 0)>
#map1 = affine_map<(d0, d1) -> (0)>
module attributes {stable_mosaic.version = 14 : i64} {
  func.func @k(%arg0: i32, %arg1: i32, %arg2: memref<100000x128xf32, #tpu.memory_space<hbm>>, %arg3: memref<16384xi32, #tpu.memory_space<hbm>>, %arg4: memref<16384xi32, #tpu.memory_space<hbm>>, %arg5: memref<16384x128xf32, #tpu.memory_space<hbm>>, %arg6: memref<16384x128xf32, #tpu.memory_space<hbm>>, %arg7: memref<512xi32, #tpu.memory_space<vmem>>, %arg8: memref<512xi32, #tpu.memory_space<vmem>>, %arg9: memref<128x128xf32, #tpu.memory_space<vmem>>, %arg10: memref<128x128xf32, #tpu.memory_space<vmem>>, %arg11: memref<128x128xf32, #tpu.memory_space<vmem>>, %arg12: memref<128x128xf32, #tpu.memory_space<vmem>>, %arg13: memref<!tpu.dma_semaphore, #tpu.memory_space<semaphore_mem>>, %arg14: memref<!tpu.dma_semaphore, #tpu.memory_space<semaphore_mem>>, %arg15: memref<!tpu.dma_semaphore, #tpu.memory_space<semaphore_mem>>, %arg16: memref<!tpu.dma_semaphore, #tpu.memory_space<semaphore_mem>>) attributes {dimension_semantics = [#tpu.dimension_semantics<core_parallel>, #tpu.dimension_semantics<subcore_parallel>], iteration_bounds = array<i64: 2, 16>, scalar_prefetch = 0 : i64, scratch_operands = 10 : i64, tpu.core_type = #tpu.core_type<sc_vector_subcore>, window_params = [{transform_indices = #map}, {transform_indices = #map1}, {transform_indices = #map1}, {transform_indices = #map}, {transform_indices = #map}]} {
    %mul3A = arith.constant 2 : i32
    %mul3A_0 = arith.muli %arg1, %mul3A : i32
    %add3A = arith.addi %mul3A_0, %arg0 : i32
    %mul3A_1 = arith.constant 512 : i32
    %mul3A_2 = arith.muli %add3A, %mul3A_1 : i32
    "tpu.region"() ({
      %run_scoped3A = tpu.sem_alloc : memref<!tpu.dma_semaphore, #tpu.memory_space<semaphore_mem>>
      %dma_start3A_153 = tpu.memref_slice %arg3[%mul3A_2] : memref<16384xi32, #tpu.memory_space<hbm>> -> memref<512xi32, #tpu.memory_space<hbm>>
      %dma_start3A_154 = tpu.memref_slice %arg3[%mul3A_2] : memref<16384xi32, #tpu.memory_space<hbm>> -> memref<512xi32, #tpu.memory_space<hbm>>
      tpu.enqueue_dma source(%dma_start3A_154 : memref<512xi32, #tpu.memory_space<hbm>>) target(%arg7 : memref<512xi32, #tpu.memory_space<vmem>>) target_semaphore(%run_scoped3A : memref<!tpu.dma_semaphore, #tpu.memory_space<semaphore_mem>>)
      %dma_wait3A_155 = tpu.memref_slice %arg3[%mul3A_2] : memref<16384xi32, #tpu.memory_space<hbm>> -> memref<512xi32, #tpu.memory_space<hbm>>
      %dma_wait3A_156 = tpu.memref_slice %arg3[%mul3A_2] : memref<16384xi32, #tpu.memory_space<hbm>> -> memref<512xi32, #tpu.memory_space<hbm>>
      tpu.wait_dma2 semaphore(%run_scoped3A : memref<!tpu.dma_semaphore, #tpu.memory_space<semaphore_mem>>) src(%dma_wait3A_156 : memref<512xi32, #tpu.memory_space<hbm>>) dst(%arg7 : memref<512xi32, #tpu.memory_space<vmem>>)
      tpu.yield
    }) : () -> ()
    "tpu.region"() ({
      %run_scoped3A = tpu.sem_alloc : memref<!tpu.dma_semaphore, #tpu.memory_space<semaphore_mem>>
      %dma_start3A_153 = tpu.memref_slice %arg4[%mul3A_2] : memref<16384xi32, #tpu.memory_space<hbm>> -> memref<512xi32, #tpu.memory_space<hbm>>
      %dma_start3A_154 = tpu.memref_slice %arg4[%mul3A_2] : memref<16384xi32, #tpu.memory_space<hbm>> -> memref<512xi32, #tpu.memory_space<hbm>>
      tpu.enqueue_dma source(%dma_start3A_154 : memref<512xi32, #tpu.memory_space<hbm>>) target(%arg8 : memref<512xi32, #tpu.memory_space<vmem>>) target_semaphore(%run_scoped3A : memref<!tpu.dma_semaphore, #tpu.memory_space<semaphore_mem>>)
      %dma_wait3A_155 = tpu.memref_slice %arg4[%mul3A_2] : memref<16384xi32, #tpu.memory_space<hbm>> -> memref<512xi32, #tpu.memory_space<hbm>>
      %dma_wait3A_156 = tpu.memref_slice %arg4[%mul3A_2] : memref<16384xi32, #tpu.memory_space<hbm>> -> memref<512xi32, #tpu.memory_space<hbm>>
      tpu.wait_dma2 semaphore(%run_scoped3A : memref<!tpu.dma_semaphore, #tpu.memory_space<semaphore_mem>>) src(%dma_wait3A_156 : memref<512xi32, #tpu.memory_space<hbm>>) dst(%arg8 : memref<512xi32, #tpu.memory_space<vmem>>)
      tpu.yield
    }) : () -> ()
    %dma_start3A = arith.constant 0 : i32
    %dma_start3A_3 = tpu.memref_slice %arg7[%dma_start3A] : memref<512xi32, #tpu.memory_space<vmem>> -> memref<128xi32, #tpu.memory_space<vmem>>
    %dma_start3A_4 = arith.constant 0 : i32
    %dma_start3A_5 = arith.constant 0 : i32
    %dma_start3A_6 = tpu.memref_slice %arg2[%dma_start3A_4, %dma_start3A_5] : memref<100000x128xf32, #tpu.memory_space<hbm>> -> memref<100000x128xf32, #tpu.memory_space<hbm>>
    tpu.enqueue_indirect_dma source(%dma_start3A_6 : memref<100000x128xf32, #tpu.memory_space<hbm>>) target(%arg9 : memref<128x128xf32, #tpu.memory_space<vmem>>) offsets(%dma_start3A_3 : memref<128xi32, #tpu.memory_space<vmem>>) semaphore(%arg13 : memref<!tpu.dma_semaphore, #tpu.memory_space<semaphore_mem>>)
    %dma_start3A_7 = arith.constant 0 : i32
    %dma_start3A_8 = tpu.memref_slice %arg8[%dma_start3A_7] : memref<512xi32, #tpu.memory_space<vmem>> -> memref<128xi32, #tpu.memory_space<vmem>>
    %dma_start3A_9 = arith.constant 0 : i32
    %dma_start3A_10 = arith.constant 0 : i32
    %dma_start3A_11 = tpu.memref_slice %arg2[%dma_start3A_9, %dma_start3A_10] : memref<100000x128xf32, #tpu.memory_space<hbm>> -> memref<100000x128xf32, #tpu.memory_space<hbm>>
    tpu.enqueue_indirect_dma source(%dma_start3A_11 : memref<100000x128xf32, #tpu.memory_space<hbm>>) target(%arg11 : memref<128x128xf32, #tpu.memory_space<vmem>>) offsets(%dma_start3A_8 : memref<128xi32, #tpu.memory_space<vmem>>) semaphore(%arg13 : memref<!tpu.dma_semaphore, #tpu.memory_space<semaphore_mem>>)
    %dma_start3A_12 = arith.constant 128 : i32
    %dma_start3A_13 = tpu.memref_slice %arg7[%dma_start3A_12] : memref<512xi32, #tpu.memory_space<vmem>> -> memref<128xi32, #tpu.memory_space<vmem>>
    %dma_start3A_14 = arith.constant 0 : i32
    %dma_start3A_15 = arith.constant 0 : i32
    %dma_start3A_16 = tpu.memref_slice %arg2[%dma_start3A_14, %dma_start3A_15] : memref<100000x128xf32, #tpu.memory_space<hbm>> -> memref<100000x128xf32, #tpu.memory_space<hbm>>
    tpu.enqueue_indirect_dma source(%dma_start3A_16 : memref<100000x128xf32, #tpu.memory_space<hbm>>) target(%arg10 : memref<128x128xf32, #tpu.memory_space<vmem>>) offsets(%dma_start3A_13 : memref<128xi32, #tpu.memory_space<vmem>>) semaphore(%arg14 : memref<!tpu.dma_semaphore, #tpu.memory_space<semaphore_mem>>)
    %dma_start3A_17 = arith.constant 128 : i32
    %dma_start3A_18 = tpu.memref_slice %arg8[%dma_start3A_17] : memref<512xi32, #tpu.memory_space<vmem>> -> memref<128xi32, #tpu.memory_space<vmem>>
    %dma_start3A_19 = arith.constant 0 : i32
    %dma_start3A_20 = arith.constant 0 : i32
    %dma_start3A_21 = tpu.memref_slice %arg2[%dma_start3A_19, %dma_start3A_20] : memref<100000x128xf32, #tpu.memory_space<hbm>> -> memref<100000x128xf32, #tpu.memory_space<hbm>>
    tpu.enqueue_indirect_dma source(%dma_start3A_21 : memref<100000x128xf32, #tpu.memory_space<hbm>>) target(%arg12 : memref<128x128xf32, #tpu.memory_space<vmem>>) offsets(%dma_start3A_18 : memref<128xi32, #tpu.memory_space<vmem>>) semaphore(%arg14 : memref<!tpu.dma_semaphore, #tpu.memory_space<semaphore_mem>>)
    %dma_wait3A = arith.constant 0 : i32
    %dma_wait3A_22 = tpu.memref_slice %arg7[%dma_wait3A] : memref<512xi32, #tpu.memory_space<vmem>> -> memref<128xi32, #tpu.memory_space<vmem>>
    %dma_wait3A_23 = arith.constant 0 : i32
    %dma_wait3A_24 = arith.constant 0 : i32
    %dma_wait3A_25 = tpu.memref_slice %arg2[%dma_wait3A_23, %dma_wait3A_24] : memref<100000x128xf32, #tpu.memory_space<hbm>> -> memref<100000x128xf32, #tpu.memory_space<hbm>>
    tpu.wait_indirect_dma semaphore(%arg13 : memref<!tpu.dma_semaphore, #tpu.memory_space<semaphore_mem>>) src(%dma_wait3A_25 : memref<100000x128xf32, #tpu.memory_space<hbm>>) dst(%arg9 : memref<128x128xf32, #tpu.memory_space<vmem>>)
    %dma_wait3A_26 = arith.constant 0 : i32
    %dma_wait3A_27 = tpu.memref_slice %arg8[%dma_wait3A_26] : memref<512xi32, #tpu.memory_space<vmem>> -> memref<128xi32, #tpu.memory_space<vmem>>
    %dma_wait3A_28 = arith.constant 0 : i32
    %dma_wait3A_29 = arith.constant 0 : i32
    %dma_wait3A_30 = tpu.memref_slice %arg2[%dma_wait3A_28, %dma_wait3A_29] : memref<100000x128xf32, #tpu.memory_space<hbm>> -> memref<100000x128xf32, #tpu.memory_space<hbm>>
    tpu.wait_indirect_dma semaphore(%arg13 : memref<!tpu.dma_semaphore, #tpu.memory_space<semaphore_mem>>) src(%dma_wait3A_30 : memref<100000x128xf32, #tpu.memory_space<hbm>>) dst(%arg11 : memref<128x128xf32, #tpu.memory_space<vmem>>)
    %add3A_31 = arith.constant 0 : i32
    %add3A_32 = arith.addi %mul3A_2, %add3A_31 : i32
    %dma_start3A_33 = arith.constant 0 : i32
    %dma_start3A_34 = tpu.memref_slice %arg5[%add3A_32, %dma_start3A_33] : memref<16384x128xf32, #tpu.memory_space<hbm>> -> memref<128x128xf32, #tpu.memory_space<hbm>>
    %dma_start3A_35 = arith.constant 0 : i32
    %dma_start3A_36 = tpu.memref_slice %arg5[%add3A_32, %dma_start3A_35] : memref<16384x128xf32, #tpu.memory_space<hbm>> -> memref<128x128xf32, #tpu.memory_space<hbm>>
    tpu.enqueue_dma source(%arg9 : memref<128x128xf32, #tpu.memory_space<vmem>>) target(%dma_start3A_36 : memref<128x128xf32, #tpu.memory_space<hbm>>) target_semaphore(%arg15 : memref<!tpu.dma_semaphore, #tpu.memory_space<semaphore_mem>>)
    %dma_start3A_37 = arith.constant 0 : i32
    %dma_start3A_38 = tpu.memref_slice %arg6[%add3A_32, %dma_start3A_37] : memref<16384x128xf32, #tpu.memory_space<hbm>> -> memref<128x128xf32, #tpu.memory_space<hbm>>
    %dma_start3A_39 = arith.constant 0 : i32
    %dma_start3A_40 = tpu.memref_slice %arg6[%add3A_32, %dma_start3A_39] : memref<16384x128xf32, #tpu.memory_space<hbm>> -> memref<128x128xf32, #tpu.memory_space<hbm>>
    tpu.enqueue_dma source(%arg11 : memref<128x128xf32, #tpu.memory_space<vmem>>) target(%dma_start3A_40 : memref<128x128xf32, #tpu.memory_space<hbm>>) target_semaphore(%arg15 : memref<!tpu.dma_semaphore, #tpu.memory_space<semaphore_mem>>)
    %dma_wait3A_41 = arith.constant 0 : i32
    %dma_wait3A_42 = tpu.memref_slice %arg5[%add3A_32, %dma_wait3A_41] : memref<16384x128xf32, #tpu.memory_space<hbm>> -> memref<128x128xf32, #tpu.memory_space<hbm>>
    %dma_wait3A_43 = arith.constant 0 : i32
    %dma_wait3A_44 = tpu.memref_slice %arg5[%add3A_32, %dma_wait3A_43] : memref<16384x128xf32, #tpu.memory_space<hbm>> -> memref<128x128xf32, #tpu.memory_space<hbm>>
    tpu.wait_dma2 semaphore(%arg15 : memref<!tpu.dma_semaphore, #tpu.memory_space<semaphore_mem>>) src(%arg9 : memref<128x128xf32, #tpu.memory_space<vmem>>) dst(%dma_wait3A_44 : memref<128x128xf32, #tpu.memory_space<hbm>>)
    %dma_wait3A_45 = arith.constant 0 : i32
    %dma_wait3A_46 = tpu.memref_slice %arg6[%add3A_32, %dma_wait3A_45] : memref<16384x128xf32, #tpu.memory_space<hbm>> -> memref<128x128xf32, #tpu.memory_space<hbm>>
    %dma_wait3A_47 = arith.constant 0 : i32
    %dma_wait3A_48 = tpu.memref_slice %arg6[%add3A_32, %dma_wait3A_47] : memref<16384x128xf32, #tpu.memory_space<hbm>> -> memref<128x128xf32, #tpu.memory_space<hbm>>
    tpu.wait_dma2 semaphore(%arg15 : memref<!tpu.dma_semaphore, #tpu.memory_space<semaphore_mem>>) src(%arg11 : memref<128x128xf32, #tpu.memory_space<vmem>>) dst(%dma_wait3A_48 : memref<128x128xf32, #tpu.memory_space<hbm>>)
    %dma_start3A_49 = arith.constant 256 : i32
    %dma_start3A_50 = tpu.memref_slice %arg7[%dma_start3A_49] : memref<512xi32, #tpu.memory_space<vmem>> -> memref<128xi32, #tpu.memory_space<vmem>>
    %dma_start3A_51 = arith.constant 0 : i32
    %dma_start3A_52 = arith.constant 0 : i32
    %dma_start3A_53 = tpu.memref_slice %arg2[%dma_start3A_51, %dma_start3A_52] : memref<100000x128xf32, #tpu.memory_space<hbm>> -> memref<100000x128xf32, #tpu.memory_space<hbm>>
    tpu.enqueue_indirect_dma source(%dma_start3A_53 : memref<100000x128xf32, #tpu.memory_space<hbm>>) target(%arg9 : memref<128x128xf32, #tpu.memory_space<vmem>>) offsets(%dma_start3A_50 : memref<128xi32, #tpu.memory_space<vmem>>) semaphore(%arg13 : memref<!tpu.dma_semaphore, #tpu.memory_space<semaphore_mem>>)
    %dma_start3A_54 = arith.constant 256 : i32
    %dma_start3A_55 = tpu.memref_slice %arg8[%dma_start3A_54] : memref<512xi32, #tpu.memory_space<vmem>> -> memref<128xi32, #tpu.memory_space<vmem>>
    %dma_start3A_56 = arith.constant 0 : i32
    %dma_start3A_57 = arith.constant 0 : i32
    %dma_start3A_58 = tpu.memref_slice %arg2[%dma_start3A_56, %dma_start3A_57] : memref<100000x128xf32, #tpu.memory_space<hbm>> -> memref<100000x128xf32, #tpu.memory_space<hbm>>
    tpu.enqueue_indirect_dma source(%dma_start3A_58 : memref<100000x128xf32, #tpu.memory_space<hbm>>) target(%arg11 : memref<128x128xf32, #tpu.memory_space<vmem>>) offsets(%dma_start3A_55 : memref<128xi32, #tpu.memory_space<vmem>>) semaphore(%arg13 : memref<!tpu.dma_semaphore, #tpu.memory_space<semaphore_mem>>)
    %dma_wait3A_59 = arith.constant 128 : i32
    %dma_wait3A_60 = tpu.memref_slice %arg7[%dma_wait3A_59] : memref<512xi32, #tpu.memory_space<vmem>> -> memref<128xi32, #tpu.memory_space<vmem>>
    %dma_wait3A_61 = arith.constant 0 : i32
    %dma_wait3A_62 = arith.constant 0 : i32
    %dma_wait3A_63 = tpu.memref_slice %arg2[%dma_wait3A_61, %dma_wait3A_62] : memref<100000x128xf32, #tpu.memory_space<hbm>> -> memref<100000x128xf32, #tpu.memory_space<hbm>>
    tpu.wait_indirect_dma semaphore(%arg14 : memref<!tpu.dma_semaphore, #tpu.memory_space<semaphore_mem>>) src(%dma_wait3A_63 : memref<100000x128xf32, #tpu.memory_space<hbm>>) dst(%arg10 : memref<128x128xf32, #tpu.memory_space<vmem>>)
    %dma_wait3A_64 = arith.constant 128 : i32
    %dma_wait3A_65 = tpu.memref_slice %arg8[%dma_wait3A_64] : memref<512xi32, #tpu.memory_space<vmem>> -> memref<128xi32, #tpu.memory_space<vmem>>
    %dma_wait3A_66 = arith.constant 0 : i32
    %dma_wait3A_67 = arith.constant 0 : i32
    %dma_wait3A_68 = tpu.memref_slice %arg2[%dma_wait3A_66, %dma_wait3A_67] : memref<100000x128xf32, #tpu.memory_space<hbm>> -> memref<100000x128xf32, #tpu.memory_space<hbm>>
    tpu.wait_indirect_dma semaphore(%arg14 : memref<!tpu.dma_semaphore, #tpu.memory_space<semaphore_mem>>) src(%dma_wait3A_68 : memref<100000x128xf32, #tpu.memory_space<hbm>>) dst(%arg12 : memref<128x128xf32, #tpu.memory_space<vmem>>)
    %add3A_69 = arith.constant 128 : i32
    %add3A_70 = arith.addi %mul3A_2, %add3A_69 : i32
    %dma_start3A_71 = arith.constant 0 : i32
    %dma_start3A_72 = tpu.memref_slice %arg5[%add3A_70, %dma_start3A_71] : memref<16384x128xf32, #tpu.memory_space<hbm>> -> memref<128x128xf32, #tpu.memory_space<hbm>>
    %dma_start3A_73 = arith.constant 0 : i32
    %dma_start3A_74 = tpu.memref_slice %arg5[%add3A_70, %dma_start3A_73] : memref<16384x128xf32, #tpu.memory_space<hbm>> -> memref<128x128xf32, #tpu.memory_space<hbm>>
    tpu.enqueue_dma source(%arg10 : memref<128x128xf32, #tpu.memory_space<vmem>>) target(%dma_start3A_74 : memref<128x128xf32, #tpu.memory_space<hbm>>) target_semaphore(%arg16 : memref<!tpu.dma_semaphore, #tpu.memory_space<semaphore_mem>>)
    %dma_start3A_75 = arith.constant 0 : i32
    %dma_start3A_76 = tpu.memref_slice %arg6[%add3A_70, %dma_start3A_75] : memref<16384x128xf32, #tpu.memory_space<hbm>> -> memref<128x128xf32, #tpu.memory_space<hbm>>
    %dma_start3A_77 = arith.constant 0 : i32
    %dma_start3A_78 = tpu.memref_slice %arg6[%add3A_70, %dma_start3A_77] : memref<16384x128xf32, #tpu.memory_space<hbm>> -> memref<128x128xf32, #tpu.memory_space<hbm>>
    tpu.enqueue_dma source(%arg12 : memref<128x128xf32, #tpu.memory_space<vmem>>) target(%dma_start3A_78 : memref<128x128xf32, #tpu.memory_space<hbm>>) target_semaphore(%arg16 : memref<!tpu.dma_semaphore, #tpu.memory_space<semaphore_mem>>)
    %dma_wait3A_79 = arith.constant 0 : i32
    %dma_wait3A_80 = tpu.memref_slice %arg5[%add3A_70, %dma_wait3A_79] : memref<16384x128xf32, #tpu.memory_space<hbm>> -> memref<128x128xf32, #tpu.memory_space<hbm>>
    %dma_wait3A_81 = arith.constant 0 : i32
    %dma_wait3A_82 = tpu.memref_slice %arg5[%add3A_70, %dma_wait3A_81] : memref<16384x128xf32, #tpu.memory_space<hbm>> -> memref<128x128xf32, #tpu.memory_space<hbm>>
    tpu.wait_dma2 semaphore(%arg16 : memref<!tpu.dma_semaphore, #tpu.memory_space<semaphore_mem>>) src(%arg10 : memref<128x128xf32, #tpu.memory_space<vmem>>) dst(%dma_wait3A_82 : memref<128x128xf32, #tpu.memory_space<hbm>>)
    %dma_wait3A_83 = arith.constant 0 : i32
    %dma_wait3A_84 = tpu.memref_slice %arg6[%add3A_70, %dma_wait3A_83] : memref<16384x128xf32, #tpu.memory_space<hbm>> -> memref<128x128xf32, #tpu.memory_space<hbm>>
    %dma_wait3A_85 = arith.constant 0 : i32
    %dma_wait3A_86 = tpu.memref_slice %arg6[%add3A_70, %dma_wait3A_85] : memref<16384x128xf32, #tpu.memory_space<hbm>> -> memref<128x128xf32, #tpu.memory_space<hbm>>
    tpu.wait_dma2 semaphore(%arg16 : memref<!tpu.dma_semaphore, #tpu.memory_space<semaphore_mem>>) src(%arg12 : memref<128x128xf32, #tpu.memory_space<vmem>>) dst(%dma_wait3A_86 : memref<128x128xf32, #tpu.memory_space<hbm>>)
    %dma_start3A_87 = arith.constant 384 : i32
    %dma_start3A_88 = tpu.memref_slice %arg7[%dma_start3A_87] : memref<512xi32, #tpu.memory_space<vmem>> -> memref<128xi32, #tpu.memory_space<vmem>>
    %dma_start3A_89 = arith.constant 0 : i32
    %dma_start3A_90 = arith.constant 0 : i32
    %dma_start3A_91 = tpu.memref_slice %arg2[%dma_start3A_89, %dma_start3A_90] : memref<100000x128xf32, #tpu.memory_space<hbm>> -> memref<100000x128xf32, #tpu.memory_space<hbm>>
    tpu.enqueue_indirect_dma source(%dma_start3A_91 : memref<100000x128xf32, #tpu.memory_space<hbm>>) target(%arg10 : memref<128x128xf32, #tpu.memory_space<vmem>>) offsets(%dma_start3A_88 : memref<128xi32, #tpu.memory_space<vmem>>) semaphore(%arg14 : memref<!tpu.dma_semaphore, #tpu.memory_space<semaphore_mem>>)
    %dma_start3A_92 = arith.constant 384 : i32
    %dma_start3A_93 = tpu.memref_slice %arg8[%dma_start3A_92] : memref<512xi32, #tpu.memory_space<vmem>> -> memref<128xi32, #tpu.memory_space<vmem>>
    %dma_start3A_94 = arith.constant 0 : i32
    %dma_start3A_95 = arith.constant 0 : i32
    %dma_start3A_96 = tpu.memref_slice %arg2[%dma_start3A_94, %dma_start3A_95] : memref<100000x128xf32, #tpu.memory_space<hbm>> -> memref<100000x128xf32, #tpu.memory_space<hbm>>
    tpu.enqueue_indirect_dma source(%dma_start3A_96 : memref<100000x128xf32, #tpu.memory_space<hbm>>) target(%arg12 : memref<128x128xf32, #tpu.memory_space<vmem>>) offsets(%dma_start3A_93 : memref<128xi32, #tpu.memory_space<vmem>>) semaphore(%arg14 : memref<!tpu.dma_semaphore, #tpu.memory_space<semaphore_mem>>)
    %dma_wait3A_97 = arith.constant 256 : i32
    %dma_wait3A_98 = tpu.memref_slice %arg7[%dma_wait3A_97] : memref<512xi32, #tpu.memory_space<vmem>> -> memref<128xi32, #tpu.memory_space<vmem>>
    %dma_wait3A_99 = arith.constant 0 : i32
    %dma_wait3A_100 = arith.constant 0 : i32
    %dma_wait3A_101 = tpu.memref_slice %arg2[%dma_wait3A_99, %dma_wait3A_100] : memref<100000x128xf32, #tpu.memory_space<hbm>> -> memref<100000x128xf32, #tpu.memory_space<hbm>>
    tpu.wait_indirect_dma semaphore(%arg13 : memref<!tpu.dma_semaphore, #tpu.memory_space<semaphore_mem>>) src(%dma_wait3A_101 : memref<100000x128xf32, #tpu.memory_space<hbm>>) dst(%arg9 : memref<128x128xf32, #tpu.memory_space<vmem>>)
    %dma_wait3A_102 = arith.constant 256 : i32
    %dma_wait3A_103 = tpu.memref_slice %arg8[%dma_wait3A_102] : memref<512xi32, #tpu.memory_space<vmem>> -> memref<128xi32, #tpu.memory_space<vmem>>
    %dma_wait3A_104 = arith.constant 0 : i32
    %dma_wait3A_105 = arith.constant 0 : i32
    %dma_wait3A_106 = tpu.memref_slice %arg2[%dma_wait3A_104, %dma_wait3A_105] : memref<100000x128xf32, #tpu.memory_space<hbm>> -> memref<100000x128xf32, #tpu.memory_space<hbm>>
    tpu.wait_indirect_dma semaphore(%arg13 : memref<!tpu.dma_semaphore, #tpu.memory_space<semaphore_mem>>) src(%dma_wait3A_106 : memref<100000x128xf32, #tpu.memory_space<hbm>>) dst(%arg11 : memref<128x128xf32, #tpu.memory_space<vmem>>)
    %add3A_107 = arith.constant 256 : i32
    %add3A_108 = arith.addi %mul3A_2, %add3A_107 : i32
    %dma_start3A_109 = arith.constant 0 : i32
    %dma_start3A_110 = tpu.memref_slice %arg5[%add3A_108, %dma_start3A_109] : memref<16384x128xf32, #tpu.memory_space<hbm>> -> memref<128x128xf32, #tpu.memory_space<hbm>>
    %dma_start3A_111 = arith.constant 0 : i32
    %dma_start3A_112 = tpu.memref_slice %arg5[%add3A_108, %dma_start3A_111] : memref<16384x128xf32, #tpu.memory_space<hbm>> -> memref<128x128xf32, #tpu.memory_space<hbm>>
    tpu.enqueue_dma source(%arg9 : memref<128x128xf32, #tpu.memory_space<vmem>>) target(%dma_start3A_112 : memref<128x128xf32, #tpu.memory_space<hbm>>) target_semaphore(%arg15 : memref<!tpu.dma_semaphore, #tpu.memory_space<semaphore_mem>>)
    %dma_start3A_113 = arith.constant 0 : i32
    %dma_start3A_114 = tpu.memref_slice %arg6[%add3A_108, %dma_start3A_113] : memref<16384x128xf32, #tpu.memory_space<hbm>> -> memref<128x128xf32, #tpu.memory_space<hbm>>
    %dma_start3A_115 = arith.constant 0 : i32
    %dma_start3A_116 = tpu.memref_slice %arg6[%add3A_108, %dma_start3A_115] : memref<16384x128xf32, #tpu.memory_space<hbm>> -> memref<128x128xf32, #tpu.memory_space<hbm>>
    tpu.enqueue_dma source(%arg11 : memref<128x128xf32, #tpu.memory_space<vmem>>) target(%dma_start3A_116 : memref<128x128xf32, #tpu.memory_space<hbm>>) target_semaphore(%arg15 : memref<!tpu.dma_semaphore, #tpu.memory_space<semaphore_mem>>)
    %dma_wait3A_117 = arith.constant 384 : i32
    %dma_wait3A_118 = tpu.memref_slice %arg7[%dma_wait3A_117] : memref<512xi32, #tpu.memory_space<vmem>> -> memref<128xi32, #tpu.memory_space<vmem>>
    %dma_wait3A_119 = arith.constant 0 : i32
    %dma_wait3A_120 = arith.constant 0 : i32
    %dma_wait3A_121 = tpu.memref_slice %arg2[%dma_wait3A_119, %dma_wait3A_120] : memref<100000x128xf32, #tpu.memory_space<hbm>> -> memref<100000x128xf32, #tpu.memory_space<hbm>>
    tpu.wait_indirect_dma semaphore(%arg14 : memref<!tpu.dma_semaphore, #tpu.memory_space<semaphore_mem>>) src(%dma_wait3A_121 : memref<100000x128xf32, #tpu.memory_space<hbm>>) dst(%arg10 : memref<128x128xf32, #tpu.memory_space<vmem>>)
    %dma_wait3A_122 = arith.constant 384 : i32
    %dma_wait3A_123 = tpu.memref_slice %arg8[%dma_wait3A_122] : memref<512xi32, #tpu.memory_space<vmem>> -> memref<128xi32, #tpu.memory_space<vmem>>
    %dma_wait3A_124 = arith.constant 0 : i32
    %dma_wait3A_125 = arith.constant 0 : i32
    %dma_wait3A_126 = tpu.memref_slice %arg2[%dma_wait3A_124, %dma_wait3A_125] : memref<100000x128xf32, #tpu.memory_space<hbm>> -> memref<100000x128xf32, #tpu.memory_space<hbm>>
    tpu.wait_indirect_dma semaphore(%arg14 : memref<!tpu.dma_semaphore, #tpu.memory_space<semaphore_mem>>) src(%dma_wait3A_126 : memref<100000x128xf32, #tpu.memory_space<hbm>>) dst(%arg12 : memref<128x128xf32, #tpu.memory_space<vmem>>)
    %add3A_127 = arith.constant 384 : i32
    %add3A_128 = arith.addi %mul3A_2, %add3A_127 : i32
    %dma_start3A_129 = arith.constant 0 : i32
    %dma_start3A_130 = tpu.memref_slice %arg5[%add3A_128, %dma_start3A_129] : memref<16384x128xf32, #tpu.memory_space<hbm>> -> memref<128x128xf32, #tpu.memory_space<hbm>>
    %dma_start3A_131 = arith.constant 0 : i32
    %dma_start3A_132 = tpu.memref_slice %arg5[%add3A_128, %dma_start3A_131] : memref<16384x128xf32, #tpu.memory_space<hbm>> -> memref<128x128xf32, #tpu.memory_space<hbm>>
    tpu.enqueue_dma source(%arg10 : memref<128x128xf32, #tpu.memory_space<vmem>>) target(%dma_start3A_132 : memref<128x128xf32, #tpu.memory_space<hbm>>) target_semaphore(%arg16 : memref<!tpu.dma_semaphore, #tpu.memory_space<semaphore_mem>>)
    %dma_start3A_133 = arith.constant 0 : i32
    %dma_start3A_134 = tpu.memref_slice %arg6[%add3A_128, %dma_start3A_133] : memref<16384x128xf32, #tpu.memory_space<hbm>> -> memref<128x128xf32, #tpu.memory_space<hbm>>
    %dma_start3A_135 = arith.constant 0 : i32
    %dma_start3A_136 = tpu.memref_slice %arg6[%add3A_128, %dma_start3A_135] : memref<16384x128xf32, #tpu.memory_space<hbm>> -> memref<128x128xf32, #tpu.memory_space<hbm>>
    tpu.enqueue_dma source(%arg12 : memref<128x128xf32, #tpu.memory_space<vmem>>) target(%dma_start3A_136 : memref<128x128xf32, #tpu.memory_space<hbm>>) target_semaphore(%arg16 : memref<!tpu.dma_semaphore, #tpu.memory_space<semaphore_mem>>)
    %dma_wait3A_137 = arith.constant 0 : i32
    %dma_wait3A_138 = tpu.memref_slice %arg5[%add3A_108, %dma_wait3A_137] : memref<16384x128xf32, #tpu.memory_space<hbm>> -> memref<128x128xf32, #tpu.memory_space<hbm>>
    %dma_wait3A_139 = arith.constant 0 : i32
    %dma_wait3A_140 = tpu.memref_slice %arg5[%add3A_108, %dma_wait3A_139] : memref<16384x128xf32, #tpu.memory_space<hbm>> -> memref<128x128xf32, #tpu.memory_space<hbm>>
    tpu.wait_dma2 semaphore(%arg15 : memref<!tpu.dma_semaphore, #tpu.memory_space<semaphore_mem>>) src(%arg9 : memref<128x128xf32, #tpu.memory_space<vmem>>) dst(%dma_wait3A_140 : memref<128x128xf32, #tpu.memory_space<hbm>>)
    %dma_wait3A_141 = arith.constant 0 : i32
    %dma_wait3A_142 = tpu.memref_slice %arg6[%add3A_108, %dma_wait3A_141] : memref<16384x128xf32, #tpu.memory_space<hbm>> -> memref<128x128xf32, #tpu.memory_space<hbm>>
    %dma_wait3A_143 = arith.constant 0 : i32
    %dma_wait3A_144 = tpu.memref_slice %arg6[%add3A_108, %dma_wait3A_143] : memref<16384x128xf32, #tpu.memory_space<hbm>> -> memref<128x128xf32, #tpu.memory_space<hbm>>
    tpu.wait_dma2 semaphore(%arg15 : memref<!tpu.dma_semaphore, #tpu.memory_space<semaphore_mem>>) src(%arg11 : memref<128x128xf32, #tpu.memory_space<vmem>>) dst(%dma_wait3A_144 : memref<128x128xf32, #tpu.memory_space<hbm>>)
    %dma_wait3A_145 = arith.constant 0 : i32
    %dma_wait3A_146 = tpu.memref_slice %arg5[%add3A_128, %dma_wait3A_145] : memref<16384x128xf32, #tpu.memory_space<hbm>> -> memref<128x128xf32, #tpu.memory_space<hbm>>
    %dma_wait3A_147 = arith.constant 0 : i32
    %dma_wait3A_148 = tpu.memref_slice %arg5[%add3A_128, %dma_wait3A_147] : memref<16384x128xf32, #tpu.memory_space<hbm>> -> memref<128x128xf32, #tpu.memory_space<hbm>>
    tpu.wait_dma2 semaphore(%arg16 : memref<!tpu.dma_semaphore, #tpu.memory_space<semaphore_mem>>) src(%arg10 : memref<128x128xf32, #tpu.memory_space<vmem>>) dst(%dma_wait3A_148 : memref<128x128xf32, #tpu.memory_space<hbm>>)
    %dma_wait3A_149 = arith.constant 0 : i32
    %dma_wait3A_150 = tpu.memref_slice %arg6[%add3A_128, %dma_wait3A_149] : memref<16384x128xf32, #tpu.memory_space<hbm>> -> memref<128x128xf32, #tpu.memory_space<hbm>>
    %dma_wait3A_151 = arith.constant 0 : i32
    %dma_wait3A_152 = tpu.memref_slice %arg6[%add3A_128, %dma_wait3A_151] : memref<16384x128xf32, #tpu.memory_space<hbm>> -> memref<128x128xf32, #tpu.memory_space<hbm>>
    tpu.wait_dma2 semaphore(%arg16 : memref<!tpu.dma_semaphore, #tpu.memory_space<semaphore_mem>>) src(%arg12 : memref<128x128xf32, #tpu.memory_space<vmem>>) dst(%dma_wait3A_152 : memref<128x128xf32, #tpu.memory_space<hbm>>)
    return
  }
}

module attributes {stable_mosaic.version = 14 : i64} {
  func.func @body(%arg0: i32, %arg1: memref<32x12288xf32, #tpu.memory_space<vmem>>, %arg2: memref<32x12288xf32, #tpu.memory_space<vmem>>, %arg3: memref<32x12288xf32, #tpu.memory_space<vmem>>, %arg4: memref<32x12288xf32, #tpu.memory_space<vmem>>, %arg5: memref<128x128xf32, #tpu.memory_space<vmem>>, %arg6: memref<12288x128xf32, #tpu.memory_space<vmem>>) attributes {dimension_semantics = [#tpu.dimension_semantics<parallel>], iteration_bounds = array<i64: 9>, scalar_prefetch = 0 : i64, scratch_operands = 0 : i64, tpu.core_type = #tpu.core_type<tc>, window_params = [{transform_indices = @transform_0, window_bounds = array<i64: 32, 12288>}, {transform_indices = @transform_1, window_bounds = array<i64: 32, 12288>}, {transform_indices = @transform_2, window_bounds = array<i64: 32, 12288>}, {transform_indices = @transform_3, window_bounds = array<i64: 32, 12288>}, {pipeline_mode = #tpu.pipeline_mode<synchronous>, transform_indices = @transform_4, window_bounds = array<i64: 128, 128>}, {transform_indices = @transform_5, window_bounds = array<i64: 12288, 128>}]} {
    %get3A = arith.constant 0 : index
    %get3A_0 = arith.constant 0 : index
    %get3A_1 = vector.load %arg1[%get3A, %get3A_0] : memref<32x12288xf32, #tpu.memory_space<vmem>>, vector<32x12288xf32>
    %get3A_2 = arith.constant 0 : index
    %get3A_3 = arith.constant 0 : index
    %get3A_4 = vector.load %arg2[%get3A_2, %get3A_3] : memref<32x12288xf32, #tpu.memory_space<vmem>>, vector<32x12288xf32>
    %get3A_5 = arith.constant 0 : index
    %get3A_6 = arith.constant 0 : index
    %get3A_7 = vector.load %arg3[%get3A_5, %get3A_6] : memref<32x12288xf32, #tpu.memory_space<vmem>>, vector<32x12288xf32>
    %get3A_8 = arith.constant 0 : index
    %get3A_9 = arith.constant 0 : index
    %get3A_10 = vector.load %arg4[%get3A_8, %get3A_9] : memref<32x12288xf32, #tpu.memory_space<vmem>>, vector<32x12288xf32>
    %concatenate3A = tpu.concatenate %get3A_1, %get3A_4, %get3A_7, %get3A_10 in 0 : vector<32x12288xf32>, vector<32x12288xf32>, vector<32x12288xf32>, vector<32x12288xf32> -> vector<128x12288xf32>
    %get3A_11 = arith.constant 0 : index
    %get3A_12 = arith.constant 0 : index
    %get3A_13 = vector.load %arg5[%get3A_11, %get3A_12] : memref<128x128xf32, #tpu.memory_space<vmem>>, vector<128x128xf32>
    %dot_general3A = arith.constant dense<0.000000e+00> : vector<12288x128xf32>
    %dot_general3A_14 = tpu.matmul %concatenate3A, %get3A_13, %dot_general3A {dimension_numbers = #tpu.dot_dimension_numbers<[0], [0], [1], [1], [0, 1, 1, 1], [], []>, transpose_lhs_hint = false} : vector<128x12288xf32>, vector<128x128xf32>, vector<12288x128xf32> -> vector<12288x128xf32>
    %swap3A = arith.constant 0 : index
    %swap3A_15 = arith.constant 0 : index
    %swap3A_16 = vector.load %arg6[%swap3A, %swap3A_15] : memref<12288x128xf32, #tpu.memory_space<vmem>>, vector<12288x128xf32>
    tpu.vector_store %arg6[%swap3A, %swap3A_15], %dot_general3A_14 {strides = array<i32>} : memref<12288x128xf32, #tpu.memory_space<vmem>>, vector<12288x128xf32>,
    return
  }
  func.func @transform_0(%arg0: i32) -> (i32, i32) {
    %c0_i32 = arith.constant 0 : i32
    %c0_i32_0 = arith.constant 0 : i32
    return %c0_i32, %arg0 : i32, i32
  }
  func.func @transform_1(%arg0: i32) -> (i32, i32) {
    %c0_i32 = arith.constant 0 : i32
    %c0_i32_0 = arith.constant 0 : i32
    return %c0_i32, %arg0 : i32, i32
  }
  func.func @transform_2(%arg0: i32) -> (i32, i32) {
    %c0_i32 = arith.constant 0 : i32
    %c0_i32_0 = arith.constant 0 : i32
    return %c0_i32, %arg0 : i32, i32
  }
  func.func @transform_3(%arg0: i32) -> (i32, i32) {
    %c0_i32 = arith.constant 0 : i32
    %c0_i32_0 = arith.constant 0 : i32
    return %c0_i32, %arg0 : i32, i32
  }
  func.func @transform_4(%arg0: i32) -> (i32, i32) {
    %c0_i32 = arith.constant 0 : i32
    %c0_i32_0 = arith.constant 0 : i32
    %c0_i32_1 = arith.constant 0 : i32
    return %c0_i32, %c0_i32_0 : i32, i32
  }
  func.func @transform_5(%arg0: i32) -> (i32, i32) {
    %c0_i32 = arith.constant 0 : i32
    %c0_i32_0 = arith.constant 0 : i32
    return %arg0, %c0_i32 : i32, i32
  }
}

module attributes {stable_mosaic.version = 14 : i64} {
  func.func @body(%arg0: i32, %arg1: memref<4096x128xf32, #tpu.memory_space<vmem>>, %arg2: memref<4096x128xf32, #tpu.memory_space<vmem>>, %arg3: memref<1x32xf32, #tpu.memory_space<vmem>>, %arg4: memref<32x16xf32, #tpu.memory_space<vmem>>, %arg5: memref<1x16xf32, #tpu.memory_space<vmem>>, %arg6: memref<16x8xf32, #tpu.memory_space<vmem>>, %arg7: memref<1x8xf32, #tpu.memory_space<vmem>>, %arg8: memref<1x8xf32, #tpu.memory_space<vmem>>, %arg9: memref<1x32xf32, #tpu.memory_space<vmem>>, %arg10: memref<1x1xf32, #tpu.memory_space<vmem>>, %arg11: memref<4096xf32, #tpu.memory_space<vmem>>) attributes {dimension_semantics = [#tpu.dimension_semantics<parallel>], iteration_bounds = array<i64: 4>, scalar_prefetch = 0 : i64, scratch_operands = 0 : i64, tpu.core_type = #tpu.core_type<tc>, window_params = [{transform_indices = @transform_0, window_bounds = array<i64: 4096, 128>}, {transform_indices = @transform_1, window_bounds = array<i64: 4096, 128>}, {pipeline_mode = #tpu.pipeline_mode<synchronous>, transform_indices = @transform_2, window_bounds = array<i64: 1, 32>}, {pipeline_mode = #tpu.pipeline_mode<synchronous>, transform_indices = @transform_3, window_bounds = array<i64: 32, 16>}, {pipeline_mode = #tpu.pipeline_mode<synchronous>, transform_indices = @transform_4, window_bounds = array<i64: 1, 16>}, {pipeline_mode = #tpu.pipeline_mode<synchronous>, transform_indices = @transform_5, window_bounds = array<i64: 16, 8>}, {pipeline_mode = #tpu.pipeline_mode<synchronous>, transform_indices = @transform_6, window_bounds = array<i64: 1, 8>}, {pipeline_mode = #tpu.pipeline_mode<synchronous>, transform_indices = @transform_7, window_bounds = array<i64: 1, 8>}, {pipeline_mode = #tpu.pipeline_mode<synchronous>, transform_indices = @transform_8, window_bounds = array<i64: 1, 32>}, {pipeline_mode = #tpu.pipeline_mode<synchronous>, transform_indices = @transform_9, window_bounds = array<i64: 1, 1>}, {transform_indices = @transform_10, window_bounds = array<i64: 4096>}]} {
    %get3A = arith.constant 0 : index
    %get3A_0 = arith.constant 0 : index
    %get3A_1 = vector.load %arg1[%get3A, %get3A_0] : memref<4096x128xf32, #tpu.memory_space<vmem>>, vector<4096x128xf32>
    %get3A_2 = arith.constant 0 : index
    %get3A_3 = arith.constant 0 : index
    %get3A_4 = vector.load %arg2[%get3A_2, %get3A_3] : memref<4096x128xf32, #tpu.memory_space<vmem>>, vector<4096x128xf32>
    %slice3A = vector.extract_strided_slice %get3A_1 {offsets = [0, 0], sizes = [4096, 32], strides = [1, 1]} : vector<4096x128xf32> to vector<4096x32xf32>
    %slice3A_5 = vector.extract_strided_slice %get3A_4 {offsets = [0, 32], sizes = [4096, 32], strides = [1, 1]} : vector<4096x128xf32> to vector<4096x32xf32>
    %add3A = arith.addf %slice3A, %slice3A_5 : vector<4096x32xf32>
    %get3A_6 = arith.constant 0 : index
    %get3A_7 = arith.constant 0 : index
    %get3A_8 = vector.load %arg3[%get3A_6, %get3A_7] : memref<1x32xf32, #tpu.memory_space<vmem>>, vector<1x32xf32>
    %add3A_9 = vector.broadcast %get3A_8 : vector<1x32xf32> to vector<4096x32xf32>
    %add3A_10 = arith.addf %add3A, %add3A_9 : vector<4096x32xf32>
    %max3A = arith.constant 0.000000e+00 : f32
    %max3A_11 = vector.broadcast %max3A : f32 to vector<4096x32xf32>
    %max3A_12 = arith.maximumf %add3A_10, %max3A_11 : vector<4096x32xf32>
    %get3A_13 = arith.constant 0 : index
    %get3A_14 = arith.constant 0 : index
    %get3A_15 = vector.load %arg4[%get3A_13, %get3A_14] : memref<32x16xf32, #tpu.memory_space<vmem>>, vector<32x16xf32>
    %dot_general3A = arith.constant dense<0.000000e+00> : vector<4096x16xf32>
    %dot_general3A_16 = tpu.matmul %max3A_12, %get3A_15, %dot_general3A {dimension_numbers = #tpu.dot_dimension_numbers<[1], [0], [0], [1], [0, 0, 1, 1], [], []>, transpose_lhs_hint = false} : vector<4096x32xf32>, vector<32x16xf32>, vector<4096x16xf32> -> vector<4096x16xf32>
    %get3A_17 = arith.constant 0 : index
    %get3A_18 = arith.constant 0 : index
    %get3A_19 = vector.load %arg5[%get3A_17, %get3A_18] : memref<1x16xf32, #tpu.memory_space<vmem>>, vector<1x16xf32>
    %add3A_20 = vector.broadcast %get3A_19 : vector<1x16xf32> to vector<4096x16xf32>
    %add3A_21 = arith.addf %dot_general3A_16, %add3A_20 : vector<4096x16xf32>
    %max3A_22 = arith.constant 0.000000e+00 : f32
    %max3A_23 = vector.broadcast %max3A_22 : f32 to vector<4096x16xf32>
    %max3A_24 = arith.maximumf %add3A_21, %max3A_23 : vector<4096x16xf32>
    %get3A_25 = arith.constant 0 : index
    %get3A_26 = arith.constant 0 : index
    %get3A_27 = vector.load %arg6[%get3A_25, %get3A_26] : memref<16x8xf32, #tpu.memory_space<vmem>>, vector<16x8xf32>
    %dot_general3A_28 = arith.constant dense<0.000000e+00> : vector<4096x8xf32>
    %dot_general3A_29 = tpu.matmul %max3A_24, %get3A_27, %dot_general3A_28 {dimension_numbers = #tpu.dot_dimension_numbers<[1], [0], [0], [1], [0, 0, 1, 1], [], []>, transpose_lhs_hint = false} : vector<4096x16xf32>, vector<16x8xf32>, vector<4096x8xf32> -> vector<4096x8xf32>
    %get3A_30 = arith.constant 0 : index
    %get3A_31 = arith.constant 0 : index
    %get3A_32 = vector.load %arg7[%get3A_30, %get3A_31] : memref<1x8xf32, #tpu.memory_space<vmem>>, vector<1x8xf32>
    %add3A_33 = vector.broadcast %get3A_32 : vector<1x8xf32> to vector<4096x8xf32>
    %add3A_34 = arith.addf %dot_general3A_29, %add3A_33 : vector<4096x8xf32>
    %max3A_35 = arith.constant 0.000000e+00 : f32
    %max3A_36 = vector.broadcast %max3A_35 : f32 to vector<4096x8xf32>
    %max3A_37 = arith.maximumf %add3A_34, %max3A_36 : vector<4096x8xf32>
    %slice3A_38 = vector.extract_strided_slice %get3A_1 {offsets = [0, 64], sizes = [4096, 32], strides = [1, 1]} : vector<4096x128xf32> to vector<4096x32xf32>
    %slice3A_39 = vector.extract_strided_slice %get3A_4 {offsets = [0, 96], sizes = [4096, 32], strides = [1, 1]} : vector<4096x128xf32> to vector<4096x32xf32>
    %mul3A = arith.mulf %slice3A_38, %slice3A_39 : vector<4096x32xf32>
    %get3A_40 = arith.constant 0 : index
    %get3A_41 = arith.constant 0 : index
    %get3A_42 = vector.load %arg8[%get3A_40, %get3A_41] : memref<1x8xf32, #tpu.memory_space<vmem>>, vector<1x8xf32>
    %dot_general3A_43 = arith.constant dense<0.000000e+00> : vector<1x4096xf32>
    %dot_general3A_44 = tpu.matmul %get3A_42, %max3A_37, %dot_general3A_43 {dimension_numbers = #tpu.dot_dimension_numbers<[1], [1], [0], [0], [0, 0, 1, 0], [], []>, transpose_lhs_hint = false} : vector<1x8xf32>, vector<4096x8xf32>, vector<1x4096xf32> -> vector<1x4096xf32>
    %get3A_45 = arith.constant 0 : index
    %get3A_46 = arith.constant 0 : index
    %get3A_47 = vector.load %arg9[%get3A_45, %get3A_46] : memref<1x32xf32, #tpu.memory_space<vmem>>, vector<1x32xf32>
    %dot_general3A_48 = arith.constant dense<0.000000e+00> : vector<1x4096xf32>
    %dot_general3A_49 = tpu.matmul %get3A_47, %mul3A, %dot_general3A_48 {dimension_numbers = #tpu.dot_dimension_numbers<[1], [1], [0], [0], [0, 0, 1, 0], [], []>, transpose_lhs_hint = false} : vector<1x32xf32>, vector<4096x32xf32>, vector<1x4096xf32> -> vector<1x4096xf32>
    %add3A_50 = arith.addf %dot_general3A_44, %dot_general3A_49 : vector<1x4096xf32>
    %get3A_51 = arith.constant 0 : index
    %get3A_52 = arith.constant 0 : index
    %get3A_53 = vector.load %arg10[%get3A_51, %get3A_52] : memref<1x1xf32, #tpu.memory_space<vmem>>, vector<1x1xf32>
    %add3A_54 = vector.broadcast %get3A_53 : vector<1x1xf32> to vector<1x4096xf32>
    %add3A_55 = arith.addf %add3A_50, %add3A_54 : vector<1x4096xf32>
    %logistic3A = arith.negf %add3A_55 : vector<1x4096xf32>
    %logistic3A_56 = math.exp %logistic3A : vector<1x4096xf32>
    %logistic3A_57 = arith.constant 1.000000e+00 : f32
    %logistic3A_58 = vector.broadcast %logistic3A_57 : f32 to vector<1x4096xf32>
    %logistic3A_59 = arith.addf %logistic3A_58, %logistic3A_56 : vector<1x4096xf32>
    %logistic3A_60 = arith.divf %logistic3A_58, %logistic3A_59 : vector<1x4096xf32>
    %squeeze3A = vector.shape_cast %logistic3A_60 : vector<1x4096xf32> to vector<4096xf32>
    %swap3A = arith.constant 0 : index
    %swap3A_61 = vector.load %arg11[%swap3A] : memref<4096xf32, #tpu.memory_space<vmem>>, vector<4096xf32>
    tpu.vector_store %arg11[%swap3A], %squeeze3A {strides = array<i32>} : memref<4096xf32, #tpu.memory_space<vmem>>, vector<4096xf32>,
    return
  }
  func.func @transform_0(%arg0: i32) -> (i32, i32) {
    %c0_i32 = arith.constant 0 : i32
    %c0_i32_0 = arith.constant 0 : i32
    return %arg0, %c0_i32 : i32, i32
  }
  func.func @transform_1(%arg0: i32) -> (i32, i32) {
    %c0_i32 = arith.constant 0 : i32
    %c0_i32_0 = arith.constant 0 : i32
    return %arg0, %c0_i32 : i32, i32
  }
  func.func @transform_2(%arg0: i32) -> (i32, i32) {
    %c0_i32 = arith.constant 0 : i32
    %c0_i32_0 = arith.constant 0 : i32
    %c0_i32_1 = arith.constant 0 : i32
    return %c0_i32, %c0_i32_0 : i32, i32
  }
  func.func @transform_3(%arg0: i32) -> (i32, i32) {
    %c0_i32 = arith.constant 0 : i32
    %c0_i32_0 = arith.constant 0 : i32
    %c0_i32_1 = arith.constant 0 : i32
    return %c0_i32, %c0_i32_0 : i32, i32
  }
  func.func @transform_4(%arg0: i32) -> (i32, i32) {
    %c0_i32 = arith.constant 0 : i32
    %c0_i32_0 = arith.constant 0 : i32
    %c0_i32_1 = arith.constant 0 : i32
    return %c0_i32, %c0_i32_0 : i32, i32
  }
  func.func @transform_5(%arg0: i32) -> (i32, i32) {
    %c0_i32 = arith.constant 0 : i32
    %c0_i32_0 = arith.constant 0 : i32
    %c0_i32_1 = arith.constant 0 : i32
    return %c0_i32, %c0_i32_0 : i32, i32
  }
  func.func @transform_6(%arg0: i32) -> (i32, i32) {
    %c0_i32 = arith.constant 0 : i32
    %c0_i32_0 = arith.constant 0 : i32
    %c0_i32_1 = arith.constant 0 : i32
    return %c0_i32, %c0_i32_0 : i32, i32
  }
  func.func @transform_7(%arg0: i32) -> (i32, i32) {
    %c0_i32 = arith.constant 0 : i32
    %c0_i32_0 = arith.constant 0 : i32
    %c0_i32_1 = arith.constant 0 : i32
    return %c0_i32, %c0_i32_0 : i32, i32
  }
  func.func @transform_8(%arg0: i32) -> (i32, i32) {
    %c0_i32 = arith.constant 0 : i32
    %c0_i32_0 = arith.constant 0 : i32
    %c0_i32_1 = arith.constant 0 : i32
    return %c0_i32, %c0_i32_0 : i32, i32
  }
  func.func @transform_9(%arg0: i32) -> (i32, i32) {
    %c0_i32 = arith.constant 0 : i32
    %c0_i32_0 = arith.constant 0 : i32
    %c0_i32_1 = arith.constant 0 : i32
    return %c0_i32, %c0_i32_0 : i32, i32
  }
  func.func @transform_10(%arg0: i32) -> i32 {
    %c0_i32 = arith.constant 0 : i32
    return %arg0 : i32
  }
}

</mosaic_0001>

<sc_bundles>
// kernel: kernel.5.cloned.1.call-start
scs
__scs_entry_jumppad:
0x0: {  	(pc) =	sbr.rel $0x88, $3  }
0x1: {  	(tag) =	ssettag $0x0;
	lr =	simm.s32 $0x1  }
0x2: {  	[smem:$0x3F93] =	sst lr;
	_ =	strace $0xD0000000  }
0x3: {  	_ = 	snop  }
0x4: {  	_ = 	snop  }
0x5: {  	_ = 	snop  }
0x6: {  	_ = 	snop  }
0x7: {  	_ = 	snop  }
__scs_overlays_trampoline_lowered:
0x8: {  	[smem:$0x3FA2] =	sst s0  }
0x9: {  	[smem:$0x3FA3] =	sst s1  }
0xa: {  	[smem:$0x3FA4] =	sst s2  }
0xb: {  	[smem:$0x3FA5] =	sst s3  }
0xc: {  	[smem:$0x3FA6] =	sst s4  }
0xd: {  	[smem:$0x3FA7] =	sst s5  }
0xe: {  	[smem:$0x3FA8] =	sst s6  }
0xf: {  	[smem:$0x3FA9] =	sst s7  }
0x10: {  	[smem:$0x3FAA] =	sst s8  }
0x11: {  	[smem:$0x3FAB] =	sst s9;
	s0 =	simm.s32 @!p0 $0x0  }
0x12: {  	s1 =	sld [smem:$0x3F91];
	s0 =	simm.s32 @p0 $0x1  }
0x13: {  	[smem:$0x3FAC] =	sst s0;
	s0 =	simm.s32 @!p1 $0x0  }
0x14: {  	s2 =	sld [smem:$0x3F90];
	s0 =	simm.s32 @p1 $0x1  }
0x15: {  	[smem:$0x3FAD] =	sst s0;
	s0 =	simm.s32 @!p2 $0x0  }
0x16: {  	s3 =	sld [smem:$0x3FDB];
	s0 =	simm.s32 @p2 $0x1  }
0x17: {  	s4 =	simm.s32 $0x1BF5;
	[smem:$0x3FAF] =	sst s0  }
0x18: {  	s0 =	sld [smem:$0x3F92];
	_ =	swait.ge [sflag:s4], $0x0  }
0x19: {  	s7 =	sld [smem:$0x3F93]  }
0x1a: {  	s8 =	sadd.s32 $0xFFFFE003, lr  }
0x1b: {  	s9 =	sadd.s32 $0xFFFFFEF7, lr;
	s5 =	simm.s32 $0xFFFFFFFF;
	p2 =	slt.u32 s8, $0xFFFFF086  }
0x1c: {  	p1 =	slt.u32 s9, $0xF7A;
	s5 =	simm.s32 @!p2 $0x0  }
0x1d: {  	s5 =	simm.s32 @p1 $0x1;
	p0 =	seq.s32 s7, s2  }
0x1e: {  	s7 =	smul.u32 @!p0 $0xF7A, s2;
	p2 =	seq.s32 @!p0 s5, $0x0  }
0x1f: {  	s9 =	smul.u32 $0xF7A, s1;
	s8 =	simm.s32 @!p0 $0x1BF5;
	p2 =	por !p2, p0  }
0x20: {  	[sflag:s8] =	ssyncset.s32 @!p0 $0xFFFFF086;
	s6 =	sadd.s32 @!p0 s3, s7;
	s7 =	simm.s32 @!p0 $0x108  }
0x21: {  	s3 =	sadd.s32 s3, s9;
	s6 =	sadd.s32 @!p0 $0x88, s6;
	s7 =	simm.s32 @p2 $0x1082  }
0x22: {  	[simem:s7], [sflag:s8] =	dma.local @!p0 [hbm:s6], $0xF7A  }
0x23: {  	s9 =	sor.u32 $0xD0000000, s2;
	s6 =	simm.s32 $0x108;
	_ =	swait.ge @!p0 [sflag:s8], $0x0  }
0x24: {  	s3 =	sadd.s32 $0x88, s3;
	s6 =	simm.s32 @!p1 $0x1082;
	[sflag:s4] =	ssyncset.s32 $0xFFFFF086  }
0x25: {  	[simem:s6], [sflag:s4] =	dma.local [hbm:s3], $0xF7A  }
0x26: {  	[smem:$0x3F93] =	sst s1;
	(tag) =	ssettag s2;
	_ =	strace s9  }
0x27: {  	s1 =	sld [smem:$0x3FA3]  }
0x28: {  	s2 =	sld [smem:$0x3FA4]  }
0x29: {  	s4 =	sld [smem:$0x3FA6]  }
0x2a: {  	p0 =	seq.s32 s5, $0x0;
	s5 =	sld [smem:$0x3FA7]  }
0x2b: {  	s6 =	sld [smem:$0x3FA8]  }
0x2c: {  	s7 =	sld [smem:$0x3FA9]  }
0x2d: {  	s3 =	simm.s32 $0x108;
	s8 =	sld [smem:$0x3FAA]  }
0x2e: {  	s3 =	simm.s32 @!p0 $0x1082;
	s9 =	sld [smem:$0x3FAB]  }
0x2f: {  	lr =	sadd.s32 s0, s3;
	s0 =	sld [smem:$0x3FA2]  }
0x30: {  	s3 =	sld [smem:$0x3FA5]  }
0x31: {  	[smem:$0x3FAE] =	sst s10  }
0x32: {  	s10 =	sld [smem:$0x3FAC];
	_ =	sdelay $0x3  }
0x33: {  	p0 =	seq.s32 s10, $0x1;
	s10 =	sld [smem:$0x3FAE];
	_ =	sdelay $0x3  }
0x34: {  	[smem:$0x3FAE] =	sst s10  }
0x35: {  	s10 =	sld [smem:$0x3FAD];
	_ =	sdelay $0x3  }
0x36: {  	p1 =	seq.s32 s10, $0x1;
	s10 =	sld [smem:$0x3FAE];
	_ =	sdelay $0x3  }
0x37: {  	[smem:$0x3FAE] =	sst s10  }
0x38: {  	s10 =	sld [smem:$0x3FAF]  }
0x39: {  	_ = 	snop;
	(pc) =	sbr.ind lr, $3  }
0x3a: {  	_ = 	snop  }
0x3b: {  	_ = 	snop  }
0x3c: {  	p2 =	seq.s32 s10, $0x1;
	s10 =	sld [smem:$0x3FAE]  }
0x3d: {  	_ =	shalt  }
0x3e: {  	_ =	shalt  }
0x3f: {  	_ =	shalt  }
0x40: {  	_ =	shalt  }
0x41: {  	_ =	shalt  }
0x42: {  	_ =	shalt  }
0x43: {  	_ =	shalt  }
0x44: {  	_ =	shalt  }
0x45: {  	_ =	shalt  }
0x46: {  	_ =	shalt  }
0x47: {  	_ =	shalt  }
0x48: {  	_ =	shalt  }
0x49: {  	_ =	shalt  }
0x4a: {  	_ =	shalt  }
0x4b: {  	_ =	shalt  }
0x4c: {  	_ =	shalt  }
0x4d: {  	_ =	shalt  }
0x4e: {  	_ =	shalt  }
0x4f: {  	_ =	shalt  }
0x50: {  	_ =	shalt  }
0x51: {  	_ =	shalt  }
0x52: {  	_ =	shalt  }
0x53: {  	_ =	shalt  }
0x54: {  	_ =	shalt  }
0x55: {  	_ =	shalt  }
0x56: {  	_ =	shalt  }
0x57: {  	_ =	shalt  }
0x58: {  	_ =	shalt  }
0x59: {  	_ =	shalt  }
0x5a: {  	_ =	shalt  }
0x5b: {  	_ =	shalt  }
0x5c: {  	_ =	shalt  }
0x5d: {  	_ =	shalt  }
0x5e: {  	_ =	shalt  }
0x5f: {  	_ =	shalt  }
0x60: {  	_ =	shalt  }
0x61: {  	_ =	shalt  }
0x62: {  	_ =	shalt  }
0x63: {  	_ =	shalt  }
0x64: {  	_ =	shalt  }
0x65: {  	_ =	shalt  }
0x66: {  	_ =	shalt  }
0x67: {  	_ =	shalt  }
0x68: {  	_ =	shalt  }
0x69: {  	_ =	shalt  }
0x6a: {  	_ =	shalt  }
0x6b: {  	_ =	shalt  }
0x6c: {  	_ =	shalt  }
0x6d: {  	_ =	shalt  }
0x6e: {  	_ =	shalt  }
0x6f: {  	_ =	shalt  }
0x70: {  	_ =	shalt  }
0x71: {  	_ =	shalt  }
0x72: {  	_ =	shalt  }
0x73: {  	_ =	shalt  }
0x74: {  	_ =	shalt  }
0x75: {  	_ =	shalt  }
0x76: {  	_ =	shalt  }
0x77: {  	_ =	shalt  }
0x78: {  	_ =	shalt  }
0x79: {  	_ =	shalt  }
0x7a: {  	_ =	shalt  }
0x7b: {  	_ =	shalt  }
0x7c: {  	_ =	shalt  }
0x7d: {  	_ =	shalt  }
0x7e: {  	_ =	shalt  }
0x7f: {  	_ =	shalt  }
0x80: {  	_ =	shalt  }
0x81: {  	_ =	shalt  }
0x82: {  	_ =	shalt  }
0x83: {  	_ =	shalt  }
0x84: {  	_ =	shalt  }
0x85: {  	_ =	shalt  }
0x86: {  	_ =	shalt  }
0x87: {  	_ =	shalt  }
.Lfunc_end0:
.L_simem_size_0:
called_computation_lowered:
.L_overlay_start_0:
0x88: {  	s2 =	sld [smem:$0x3FD9]  }
0x89: {  	s3 =	sld [smem:$0x3FFE];
	_ =	sdelay $0x1  }
0x8a: {  	s1 =	srdreg.scid  }
0x8b: {  	s0 =	sand.u32 $0x1, s1  }
0x8c: {  	s17 =	sshll.u32 s0, $0xA;
	s2 =	sadd.s32 s3, s2  }
0x8d: {  	s2 =	sadd.s32 s2, s17  }
0x8e: {  	[smem:$0x3FBA] =	sst s2  }
0x8f: {  	_ = 	snop  }
0x90: {  	s2 =	sld [smem:$0x3FC9]  }
0x91: {  	s18 =	sld [smem:$0x3FC8];
	(tm) =	ssettm $0x1  }
0x92: {  	s4 =	sld [smem:$0x3FFB];
	_ =	sdelay $0x3  }
0x93: {  	_ =	strace s4  }
0x94: {  	s4 =	sld [smem:$0x3FFC];
	_ =	sdelay $0x3  }
0x95: {  	_ =	strace s4  }
0x96: {  	s4 =	sld [smem:$0x3FFD];
	_ =	sdelay $0x3  }
0x97: {  	_ =	strace s4  }
0x98: {  	_ =	strace $0x8FFFFFFF  }
0x99: {  	s19 =	sld [smem:$0x3FDB];
	_ =	sdelay $0x1  }
0x9a: {  	s5 =	simm.s32 $_scs_section_size  }
0x9b: {  	s6 =	simm.s32 $_size__tile_overlayer_lowered;
	s7 =	simm.s32 $_tile_overlayer_lowered  }
0x9c: {  	s22 =	simm.s32 $0x1BFF;
	s21 =	sshll.u32 s7, $0x1;
	s4 =	sadd.s32 s5, s19  }
0x9d: {  	s8 =	simm.s32 $0x0;
	s20 =	sshll.u32 s6, $0x1;
	s6 =	sadd.s32 s21, s4  }
0x9e: {  	[timem:s8], [sflag:s22] =	dma.local [hbm:s6], s20  }
0x9f: {  	_ =	swait.ge [sflag:s22], s20  }
0xa0: {  	s5 =	ssub.s32 $0x0, s20;
	[sflag:s22] =	ssyncset.done $0x0  }
0xa1: {  	[sflag:s22] =	ssyncadd.s32 s5;
	_ =	sdelay $0x1  }
0xa2: {  	s23 =	simm.s32 $0x1B8B  }
0xa3: {  	_ =	swait.ge [sflag:s23], $0x1  }
0xa4: {  	[sflag:s23] =	ssyncset.done $0x0  }
0xa5: {  	s25 =	simm.s32 $0x1B8E;
	s24 =	sld [smem:$0x3FFE];
	[sflag:s23] =	ssyncadd.s32 $0xFFFFFFFF  }
0xa6: {  	s26 =	simm.s32 $execute0_lowered;
	[smem:$0x3FD2] =	sst s25  }
0xa7: {  	s6 =	sshll.u32 s26, $0x1;
	_ =	strace $0x80000046;
	[dreg:$0x1] =	wrdreg $0xFFFFFFFF  }
0xa8: {  	s28 =	simm.s32 $_size_execute0_lowered;
	s4 =	sadd.s32 s4, s6;
	[dreg:$0x0] =	wrdreg $0x0  }
0xa9: {  	s6 =	sshll.u32 s28, $0x1;
	[dreg:$0x2] =	wrdreg s4  }
0xaa: {  	[dreg:$0x3] =	wrdreg s6  }
0xab: {  	[dreg:$0x4] =	wrdreg $0xC0  }
0xac: {  	_ =	task [dreg:s8], $0x5FFFF  }
0xad: {  	[dreg:$0x1] =	wrdreg $0xFFFFFFFF  }
0xae: {  	[dreg:$0x0] =	wrdreg $0x60  }
0xaf: {  	[dreg:$0x2] =	wrdreg s24  }
0xb0: {  	[dreg:$0x3] =	wrdreg s2  }
0xb1: {  	[dreg:$0x4] =	wrdreg s18  }
0xb2: {  	[dreg:$0x5] =	wrdreg $0x9  }
0xb3: {  	_ =	task.clear_ibuf [dreg:s8], $0x6FFFF;
	_ =	strace $0x90000046  }
0xb4: {  	s29 =	simm.s32 $0x9;
	_ =	strace $0x80000048  }
0xb5: {  	_ =	swait.ge [sflag:s29], $0x1  }
0xb6: {  	[sflag:s29] =	ssyncadd.s32 $0xFFFFFFFF  }
0xb7: {  	_ =	strace $0x90000048  }
0xb8: {  	_ =	sfence  }
0xb9: {  	s30 =	sld [smem:$0x0];
	_ =	sdelay $0x2  }
0xba: {  	s31 =	sshll.u32 s1, $0xD;
	s1 =	sshrl.u32 s1, $0x2  }
0xbb: {  	s3 =	sand.u32 $0x4000, s31;
	s1 =	sadd.s32 s1, s30  }
0xbc: {  	s0 =	sor.u32 s3, s0;
	s1 =	sshll.u32 s1, $0x11  }
0xbd: {  	s0 =	sor.u32 s1, s0  }
0xbe: {  	s0 =	sadd.s32 $0x8F2B, s0  }
0xbf: {  	[sflag:s0] =	ssyncadd.remote.s32 $0x1  }
0xc0: {  	_ =	sfence.sel $0xFFFF  }
0xc1: {  	[dreg:$0x0] =	wrdreg $0xFFFFFFFF;
	(pc) =	sbr.abs _section_cstart, $3  }
0xc2: {  	[dreg:$0x1] =	wrdreg $0xFFFFFFFF  }
0xc3: {  	_ =	task.clear_ibuf [dreg:s8], $0x2FFFF;
	_ =	strace $0x9FFFFFFF  }
0xc4: {  	(tm) =	ssettm $0x7FFFFFFF  }
0xc5: {  	_ =	shalt  }
tec
execute0_lowered:
.L_overlay_start_1:
0x0: {  	(tag) =	ssettag $0x1  }
0x1: {  	s1 =	srdreg.scid  }
0x2: {  	s15 =	rddreg [dreg:$0x0];
	s0 =	stileid.u32;
	s31 =	sand.u32 $0x1, s1  }
0x3: {  	s3 =	rddreg [dreg:$0x1];
	s4 =	sshll.u32 s0, $0xA;
	s6 =	sshll.u32 s31, $0x9  }
0x4: {  	s5 =	rddreg [dreg:$0x2];
	s2 =	simm.s32 $0x0;
	s16 =	sor.u32 s6, s4  }
0x5: {  	[smem:$0x7FF] =	sst s2;
	s6 =	sshrl.u32 s16, $0x3  }
0x6: {  	_ =	strace $0x80000047;
	s4 =	simm.s32 $0x5;
	s3 =	sadd.s32 s3, s6  }
0x7: {  	[tilespmem:s2], [sflag:$0x5] =	stream.linear.gather [hbm4b:s3+s2], $0x200, $0x38;
	[tilespmem:$0x10400] =	vst v63  }
0x8: {  	_ =	swait.ge [sflag:s4], $0x200  }
0x9: {  	[sflag:s4] =	ssyncset.done $0x0  }
0xa: {  	s5 =	sadd.s32 s5, s6;
	s6 =	simm.s32 $0x200;
	[sflag:s4] =	ssyncadd.s32 $0xFFFFFE00  }
0xb: {  	[tilespmem:s6], [sflag:$0x5] =	stream.linear.gather [hbm4b:s5+s2], $0x200, $0x38;
	[tilespmem:$0x10400] =	vst v63  }
0xc: {  	_ =	swait.ge [sflag:s4], $0x200  }
0xd: {  	s8 =	simm.s32 $0x80;
	[sflag:s4] =	ssyncset.done $0x0  }
0xe: {  	s9 =	simm.s32 $0x400;
	s7 =	sadd.s32 $0x1C00, s15;
	[sflag:s4] =	ssyncadd.s32 $0xFFFFFE00  }
0xf: {  	[tilespmem:s9], [sflag:$0x1] =	stream.indirect.gather [hbm4b:s7+s8], $0x80, s2, s8, $0xb8;
	[tilespmem:$0x10400] =	vst v63  }
0x10: {  	s10 =	simm.s32 $0x8400  }
0x11: {  	[tilespmem:s10], [sflag:$0x1] =	stream.indirect.gather [hbm4b:s7+s8], $0x80, s6, s8, $0xb8;
	[tilespmem:$0x10400] =	vst v63  }
0x12: {  	s11 =	simm.s32 $0x4400  }
0x13: {  	[tilespmem:s11], [sflag:$0x2] =	stream.indirect.gather [hbm4b:s7+s8], $0x80, s8, s8, $0xb8;
	[tilespmem:$0x10400] =	vst v63  }
0x14: {  	s12 =	simm.s32 $0x280;
	s13 =	simm.s32 $0xC400;
	s14 =	simm.s32 $0x1  }
0x15: {  	[tilespmem:s13], [sflag:$0x2] =	stream.indirect.gather [hbm4b:s7+s8], $0x80, s12, s8, $0xb8;
	[tilespmem:$0x10400] =	vst v63  }
0x16: {  	_ =	swait.ge [sflag:s14], $0x4000  }
0x17: {  	[sflag:s14] =	ssyncset.done $0x0  }
0x18: {  	[sflag:s14] =	ssyncadd.s32 $0xFFFFC000  }
0x19: {  	_ =	swait.ge [sflag:s14], $0x4000  }
0x1a: {  	s29 =	sadd.s32 $0x188600, s15;
	s30 =	sshll.u32 s16, $0x4;
	[sflag:s14] =	ssyncset.done $0x0  }
0x1b: {  	s1 =	sadd.s32 $0x1C8600, s15;
	s15 =	sadd.s32 s29, s30;
	[sflag:s14] =	ssyncadd.s32 $0xFFFFC000  }
0x1c: {  	[hbm4b:s15+s2] =	stream.linear.scatter [tilespmem:s9], [sflag:$0x3], $0x4000, $0x38;
	[tilespmem:$0x10400] =	vst v63  }
0x1d: {  	s17 =	simm.s32 $0x3;
	s16 =	sadd.s32 s1, s30  }
0x1e: {  	[hbm4b:s16+s2] =	stream.linear.scatter [tilespmem:s10], [sflag:$0x3], $0x4000, $0x38;
	[tilespmem:$0x10400] =	vst v63  }
0x1f: {  	_ =	swait.ge [sflag:s17], $0x4000  }
0x20: {  	[sflag:s17] =	ssyncset.done $0x0  }
0x21: {  	[sflag:s17] =	ssyncadd.s32 $0xFFFFC000  }
0x22: {  	_ =	swait.ge [sflag:s17], $0x4000  }
0x23: {  	[sflag:s17] =	ssyncset.done $0x0  }
0x24: {  	s18 =	simm.s32 $0x100;
	[sflag:s17] =	ssyncadd.s32 $0xFFFFC000  }
0x25: {  	[tilespmem:s9], [sflag:$0x1] =	stream.indirect.gather [hbm4b:s7+s8], $0x80, s18, s8, $0xb8;
	[tilespmem:$0x10400] =	vst v63  }
0x26: {  	s19 =	simm.s32 $0x300;
	s20 =	simm.s32 $0x2  }
0x27: {  	[tilespmem:s10], [sflag:$0x1] =	stream.indirect.gather [hbm4b:s7+s8], $0x80, s19, s8, $0xb8;
	[tilespmem:$0x10400] =	vst v63  }
0x28: {  	_ =	swait.ge [sflag:s20], $0x4000  }
0x29: {  	[sflag:s20] =	ssyncset.done $0x0  }
0x2a: {  	[sflag:s20] =	ssyncadd.s32 $0xFFFFC000  }
0x2b: {  	_ =	swait.ge [sflag:s20], $0x4000  }
0x2c: {  	s22 =	sor.u32 $0x800, s30;
	[sflag:s20] =	ssyncset.done $0x0  }
0x2d: {  	s21 =	sadd.s32 s29, s22;
	[sflag:s20] =	ssyncadd.s32 $0xFFFFC000  }
0x2e: {  	[hbm4b:s21+s2] =	stream.linear.scatter [tilespmem:s11], [sflag:$0x4], $0x4000, $0x38;
	[tilespmem:$0x10400] =	vst v63  }
0x2f: {  	s23 =	simm.s32 $0x4;
	s22 =	sadd.s32 s1, s22  }
0x30: {  	[hbm4b:s22+s2] =	stream.linear.scatter [tilespmem:s13], [sflag:$0x4], $0x4000, $0x38;
	[tilespmem:$0x10400] =	vst v63  }
0x31: {  	_ =	swait.ge [sflag:s23], $0x4000  }
0x32: {  	[sflag:s23] =	ssyncset.done $0x0  }
0x33: {  	[sflag:s23] =	ssyncadd.s32 $0xFFFFC000  }
0x34: {  	_ =	swait.ge [sflag:s23], $0x4000  }
0x35: {  	[sflag:s23] =	ssyncset.done $0x0  }
0x36: {  	s24 =	simm.s32 $0x180;
	[sflag:s23] =	ssyncadd.s32 $0xFFFFC000  }
0x37: {  	[tilespmem:s11], [sflag:$0x2] =	stream.indirect.gather [hbm4b:s7+s8], $0x80, s24, s8, $0xb8;
	[tilespmem:$0x10400] =	vst v63  }
0x38: {  	s25 =	simm.s32 $0x380  }
0x39: {  	[tilespmem:s13], [sflag:$0x2] =	stream.indirect.gather [hbm4b:s7+s8], $0x80, s25, s8, $0xb8;
	[tilespmem:$0x10400] =	vst v63  }
0x3a: {  	_ =	swait.ge [sflag:s14], $0x4000  }
0x3b: {  	[sflag:s14] =	ssyncset.done $0x0  }
0x3c: {  	[sflag:s14] =	ssyncadd.s32 $0xFFFFC000  }
0x3d: {  	_ =	swait.ge [sflag:s14], $0x4000  }
0x3e: {  	s28 =	sor.u32 $0x1000, s30;
	[sflag:s14] =	ssyncset.done $0x0  }
0x3f: {  	s26 =	sadd.s32 s29, s28;
	[sflag:s14] =	ssyncadd.s32 $0xFFFFC000  }
0x40: {  	[hbm4b:s26+s2] =	stream.linear.scatter [tilespmem:s9], [sflag:$0x3], $0x4000, $0x38;
	[tilespmem:$0x10400] =	vst v63  }
0x41: {  	s28 =	sadd.s32 s1, s28  }
0x42: {  	[hbm4b:s28+s2] =	stream.linear.scatter [tilespmem:s10], [sflag:$0x3], $0x4000, $0x38;
	[tilespmem:$0x10400] =	vst v63  }
0x43: {  	_ =	swait.ge [sflag:s20], $0x4000  }
0x44: {  	[sflag:s20] =	ssyncset.done $0x0  }
0x45: {  	[sflag:s20] =	ssyncadd.s32 $0xFFFFC000  }
0x46: {  	_ =	swait.ge [sflag:s20], $0x4000  }
0x47: {  	s30 =	sor.u32 $0x1800, s30;
	[sflag:s20] =	ssyncset.done $0x0  }
0x48: {  	s29 =	sadd.s32 s29, s30;
	[sflag:s20] =	ssyncadd.s32 $0xFFFFC000  }
0x49: {  	[hbm4b:s29+s2] =	stream.linear.scatter [tilespmem:s11], [sflag:$0x4], $0x4000, $0x38;
	[tilespmem:$0x10400] =	vst v63  }
0x4a: {  	s30 =	sadd.s32 s1, s30  }
0x4b: {  	[hbm4b:s30+s2] =	stream.linear.scatter [tilespmem:s13], [sflag:$0x4], $0x4000, $0x38;
	[tilespmem:$0x10400] =	vst v63  }
0x4c: {  	_ =	swait.ge [sflag:s17], $0x4000  }
0x4d: {  	s1 =	ssub.s32 $0x2, s31;
	[sflag:s17] =	ssyncset.done $0x0  }
0x4e: {  	s31 =	sshrl.u32 s1, $0x1;
	[sflag:s17] =	ssyncadd.s32 $0xFFFFC000  }
0x4f: {  	s1 =	ssub.s32 s1, s31;
	_ =	swait.ge [sflag:s17], $0x4000  }
0x50: {  	s1 =	smax.u32 s1, $0x1;
	[sflag:s17] =	ssyncset.done $0x0  }
0x51: {  	p0 =	sne.s32 s1, $0x1;
	[sflag:s17] =	ssyncadd.s32 $0xFFFFC000  }
.Ltmp0:
0x52: {  	_ =	swait.ge [sflag:s23], $0x4000;
	(pc) =	sbr.rel @!p0 .LBB2_2-.Ltmp0, $4  }
0x53: {  	[sflag:s23] =	ssyncset.done $0x0  }
0x54: {  	[sflag:s23] =	ssyncadd.s32 $0xFFFFC000  }
0x55: {  	_ =	swait.ge [sflag:s23], $0x4000  }
0x56: {  	s31 =	sadd.s32 $0xFFFFFFFF, s1;
	[sflag:s23] =	ssyncset.done $0x0  }
.LBB2_1:
0x57: {  	p0 =	sne.s32 s31, $0x1;
	s31 =	sadd.s32 $0xFFFFFFFF, s31;
	[sflag:s23] =	ssyncadd.s32 $0xFFFFC000  }
0x58: {  	[tilespmem:s2], [sflag:$0x5] =	stream.linear.gather [hbm4b:s3+s2], $0x200, $0x38;
	[tilespmem:$0x10400] =	vst v63  }
0x59: {  	_ =	swait.ge [sflag:s4], $0x200  }
0x5a: {  	[sflag:s4] =	ssyncset.done $0x0  }
0x5b: {  	[sflag:s4] =	ssyncadd.s32 $0xFFFFFE00  }
0x5c: {  	[tilespmem:s6], [sflag:$0x5] =	stream.linear.gather [hbm4b:s5+s2], $0x200, $0x38;
	[tilespmem:$0x10400] =	vst v63  }
0x5d: {  	_ =	swait.ge [sflag:s4], $0x200  }
0x5e: {  	[sflag:s4] =	ssyncset.done $0x0  }
0x5f: {  	[sflag:s4] =	ssyncadd.s32 $0xFFFFFE00  }
0x60: {  	[tilespmem:s9], [sflag:$0x1] =	stream.indirect.gather [hbm4b:s7+s8], $0x80, s2, s8, $0xb8;
	[tilespmem:$0x10400] =	vst v63  }
0x61: {  	_ = 	snop  }
0x62: {  	[tilespmem:s10], [sflag:$0x1] =	stream.indirect.gather [hbm4b:s7+s8], $0x80, s6, s8, $0xb8;
	[tilespmem:$0x10400] =	vst v63  }
0x63: {  	_ = 	snop  }
0x64: {  	[tilespmem:s11], [sflag:$0x2] =	stream.indirect.gather [hbm4b:s7+s8], $0x80, s8, s8, $0xb8;
	[tilespmem:$0x10400] =	vst v63  }
0x65: {  	_ = 	snop  }
0x66: {  	[tilespmem:s13], [sflag:$0x2] =	stream.indirect.gather [hbm4b:s7+s8], $0x80, s12, s8, $0xb8;
	[tilespmem:$0x10400] =	vst v63  }
0x67: {  	_ =	swait.ge [sflag:s14], $0x4000  }
0x68: {  	[sflag:s14] =	ssyncset.done $0x0  }
0x69: {  	[sflag:s14] =	ssyncadd.s32 $0xFFFFC000  }
0x6a: {  	_ =	swait.ge [sflag:s14], $0x4000  }
0x6b: {  	[sflag:s14] =	ssyncset.done $0x0  }
0x6c: {  	[sflag:s14] =	ssyncadd.s32 $0xFFFFC000  }
0x6d: {  	[hbm4b:s15+s2] =	stream.linear.scatter [tilespmem:s9], [sflag:$0x3], $0x4000, $0x38;
	[tilespmem:$0x10400] =	vst v63  }
0x6e: {  	_ = 	snop  }
0x6f: {  	[hbm4b:s16+s2] =	stream.linear.scatter [tilespmem:s10], [sflag:$0x3], $0x4000, $0x38;
	[tilespmem:$0x10400] =	vst v63  }
0x70: {  	_ =	swait.ge [sflag:s17], $0x4000  }
0x71: {  	[sflag:s17] =	ssyncset.done $0x0  }
0x72: {  	[sflag:s17] =	ssyncadd.s32 $0xFFFFC000  }
0x73: {  	_ =	swait.ge [sflag:s17], $0x4000  }
0x74: {  	[sflag:s17] =	ssyncset.done $0x0  }
0x75: {  	[sflag:s17] =	ssyncadd.s32 $0xFFFFC000  }
0x76: {  	[tilespmem:s9], [sflag:$0x1] =	stream.indirect.gather [hbm4b:s7+s8], $0x80, s18, s8, $0xb8;
	[tilespmem:$0x10400] =	vst v63  }
0x77: {  	_ = 	snop  }
0x78: {  	[tilespmem:s10], [sflag:$0x1] =	stream.indirect.gather [hbm4b:s7+s8], $0x80, s19, s8, $0xb8;
	[tilespmem:$0x10400] =	vst v63  }
0x79: {  	_ =	swait.ge [sflag:s20], $0x4000  }
0x7a: {  	[sflag:s20] =	ssyncset.done $0x0  }
0x7b: {  	[sflag:s20] =	ssyncadd.s32 $0xFFFFC000  }
0x7c: {  	_ =	swait.ge [sflag:s20], $0x4000  }
0x7d: {  	[sflag:s20] =	ssyncset.done $0x0  }
0x7e: {  	[sflag:s20] =	ssyncadd.s32 $0xFFFFC000  }
0x7f: {  	[hbm4b:s21+s2] =	stream.linear.scatter [tilespmem:s11], [sflag:$0x4], $0x4000, $0x38;
	[tilespmem:$0x10400] =	vst v63  }
0x80: {  	_ = 	snop  }
0x81: {  	[hbm4b:s22+s2] =	stream.linear.scatter [tilespmem:s13], [sflag:$0x4], $0x4000, $0x38;
	[tilespmem:$0x10400] =	vst v63  }
0x82: {  	_ =	swait.ge [sflag:s23], $0x4000  }
0x83: {  	[sflag:s23] =	ssyncset.done $0x0  }
0x84: {  	[sflag:s23] =	ssyncadd.s32 $0xFFFFC000  }
0x85: {  	_ =	swait.ge [sflag:s23], $0x4000  }
0x86: {  	[sflag:s23] =	ssyncset.done $0x0  }
0x87: {  	[sflag:s23] =	ssyncadd.s32 $0xFFFFC000  }
0x88: {  	[tilespmem:s11], [sflag:$0x2] =	stream.indirect.gather [hbm4b:s7+s8], $0x80, s24, s8, $0xb8;
	[tilespmem:$0x10400] =	vst v63  }
0x89: {  	_ = 	snop  }
0x8a: {  	[tilespmem:s13], [sflag:$0x2] =	stream.indirect.gather [hbm4b:s7+s8], $0x80, s25, s8, $0xb8;
	[tilespmem:$0x10400] =	vst v63  }
0x8b: {  	_ =	swait.ge [sflag:s14], $0x4000  }
0x8c: {  	[sflag:s14] =	ssyncset.done $0x0  }
0x8d: {  	[sflag:s14] =	ssyncadd.s32 $0xFFFFC000  }
0x8e: {  	_ =	swait.ge [sflag:s14], $0x4000  }
0x8f: {  	[sflag:s14] =	ssyncset.done $0x0  }
0x90: {  	[sflag:s14] =	ssyncadd.s32 $0xFFFFC000  }
0x91: {  	[hbm4b:s26+s2] =	stream.linear.scatter [tilespmem:s9], [sflag:$0x3], $0x4000, $0x38;
	[tilespmem:$0x10400] =	vst v63  }
0x92: {  	_ = 	snop  }
0x93: {  	[hbm4b:s28+s2] =	stream.linear.scatter [tilespmem:s10], [sflag:$0x3], $0x4000, $0x38;
	[tilespmem:$0x10400] =	vst v63  }
0x94: {  	_ =	swait.ge [sflag:s20], $0x4000  }
0x95: {  	[sflag:s20] =	ssyncset.done $0x0  }
0x96: {  	[sflag:s20] =	ssyncadd.s32 $0xFFFFC000  }
0x97: {  	_ =	swait.ge [sflag:s20], $0x4000  }
0x98: {  	[sflag:s20] =	ssyncset.done $0x0  }
0x99: {  	[sflag:s20] =	ssyncadd.s32 $0xFFFFC000  }
0x9a: {  	[hbm4b:s29+s2] =	stream.linear.scatter [tilespmem:s11], [sflag:$0x4], $0x4000, $0x38;
	[tilespmem:$0x10400] =	vst v63  }
0x9b: {  	_ = 	snop  }
0x9c: {  	[hbm4b:s30+s2] =	stream.linear.scatter [tilespmem:s13], [sflag:$0x4], $0x4000, $0x38;
	[tilespmem:$0x10400] =	vst v63  }
0x9d: {  	_ =	swait.ge [sflag:s17], $0x4000  }
0x9e: {  	[sflag:s17] =	ssyncset.done $0x0  }
0x9f: {  	[sflag:s17] =	ssyncadd.s32 $0xFFFFC000  }
0xa0: {  	_ =	swait.ge [sflag:s17], $0x4000  }
0xa1: {  	[sflag:s17] =	ssyncset.done $0x0  }
0xa2: {  	[sflag:s17] =	ssyncadd.s32 $0xFFFFC000  }
.Ltmp1:
0xa3: {  	_ =	swait.ge [sflag:s23], $0x4000;
	(pc) =	sbr.rel @p0 .LBB2_1-.Ltmp1, $4  }
0xa4: {  	[sflag:s23] =	ssyncset.done $0x0  }
0xa5: {  	[sflag:s23] =	ssyncadd.s32 $0xFFFFC000  }
0xa6: {  	_ =	swait.ge [sflag:s23], $0x4000  }
0xa7: {  	[sflag:s23] =	ssyncset.done $0x0  }
.LBB2_2:
0xa8: {  	[sflag:s23] =	ssyncadd.s32 $0xFFFFC000  }
0xa9: {  	_ =	sfence.sel $0x180000  }
0xaa: {  	[bflag:$0x0] =	sbarrier.arrive $0xFFFF  }
0xab: {  	_ =	strace $0x90000047  }
0xac: {  	[bflag:$0x2] =	sbarrier.arrive $0xFFFF  }
0xad: {  	p0 =	sne.s32 s0, $0x0;
	s0 =	rddreg [dreg:$0x3]  }
0xae: {  	s0 =	sadd.s32 @!p0 $0x100000, s0  }
0xaf: {  	[sflag:s0] =	ssyncadd.tile.s32 @!p0 $0x1;
	_ =	shalt  }
.Lfunc_end2:
_tile_overlayer_lowered:
.L_overlay_start_2:
0xb0: {  	(tag) =	ssettag $0x2  }
0xb1: {  	s0 =	rddreg [dreg:$0x0];
	s2 =	stileid.u32  }
0xb2: {  	s1 =	rddreg [dreg:$0x1];
	p0 =	sne.s32 s2, $0x0  }
0xb3: {  	s3 =	rddreg [dreg:$0x2];
	[bflag:$0x3] =	sbarrier.arrive $0xFFFF;
	s2 =	simm.s32 @!p0 $0x1C05  }
0xb4: {  	[timem:s3], [sflag:s2] =	dma.local @!p0 [hbm:s0], s1  }
0xb5: {  	s0 =	simm.s32 @!p0 $0x5  }
0xb6: {  	_ =	swait.ge @!p0 [sflag:s0], s1  }
0xb7: {  	s1 =	ssub.s32 @!p0 $0x0, s1;
	[sflag:s0] =	ssyncset.done @!p0 $0x0  }
0xb8: {  	[sflag:s0] =	ssyncadd.s32 @!p0 s1  }
0xb9: {  	[bflag:$0x3] =	sbarrier.arrive $0xFFFF  }
0xba: {  	_ =	shalt  }

</sc_bundles>
